<compile_context>
chip_gen: v7x
topology: tpu7x:2x2x1
jax: 0.10.2.dev20260603
libtpu: 0.0.44.dev20260713+nightly
codegen_flags: <defaults>
</compile_context>

<pallas_src>
import functools

import jax
import jax.numpy as jnp
from jax import lax
from jax.experimental import pallas as pl
from jax.experimental.pallas import tpu as pltpu
from jax.experimental.pallas import tpu_sc as plsc

E = 64
D = 768
T = 2048
BM = 16
NB = (T + E * (BM - 1)) // BM
P = NB * BM
CH = 128
PP = P + CH - BM
NBPAD = 256
NC = 2
NS = 16
NW = NC * NS
PER_W = T // NW


def _routing_body(logits_ref, pos_ref, off_ref):
    logits = logits_ref[...]
    m = jnp.max(logits, axis=1, keepdims=True)
    ex = jnp.exp(logits - m)
    probs = ex / jnp.sum(ex, axis=1, keepdims=True)
    col = lax.broadcasted_iota(jnp.int32, (T, E), 1)
    rowmax = jnp.max(probs, axis=1, keepdims=True)
    e = jnp.min(jnp.where(probs == rowmax, col, E), axis=1, keepdims=True)
    onehot = (e == col).astype(jnp.float32)

    r = lax.broadcasted_iota(jnp.int32, (T, T), 0)
    c = lax.broadcasted_iota(jnp.int32, (T, T), 1)
    ltri = (c <= r).astype(jnp.float32)
    cum = lax.dot(ltri, onehot)
    rank = jnp.sum(onehot * cum, axis=1, keepdims=True) - 1.0

    counts = cum[T - 1:T, :]
    counts_i = counts.astype(jnp.int32)
    nblocks = (counts_i + (BM - 1)) // BM
    nb_f = nblocks.astype(jnp.float32)
    rr = lax.broadcasted_iota(jnp.int32, (E, E), 0)
    cc = lax.broadcasted_iota(jnp.int32, (E, E), 1)
    strict = (rr < cc).astype(jnp.float32)
    blk_start = lax.dot(nb_f, strict)
    row_off = blk_start * float(BM)

    pos = jnp.sum(onehot * row_off, axis=1, keepdims=True) + rank
    pos_ref[...] = pos.astype(jnp.int32)

    ji = lax.broadcasted_iota(jnp.int32, (NBPAD, E), 0)
    ki = lax.broadcasted_iota(jnp.int32, (NBPAD, E), 1)
    offs = jnp.sum(jnp.where(ki < ji, nb_f, 0.0), axis=1, keepdims=True)
    off_ref[...] = offs.astype(jnp.int32)


def _routing(router_logits):
    return pl.pallas_call(
        _routing_body,
        out_shape=[
            jax.ShapeDtypeStruct((T, 1), jnp.int32),
            jax.ShapeDtypeStruct((NBPAD, 1), jnp.int32),
        ],
    )(router_logits)


WK = 4


def _mm_body(off_ref, xs_ref, w_hbm, b_ref, ys_ref, wbuf, wsem):
    def start_fetch(e):
        slot = lax.rem(e, WK)
        pltpu.make_async_copy(w_hbm.at[e], wbuf.at[slot], wsem.at[slot]).start()

    for i in range(WK):
        start_fetch(jnp.int32(i))

    def expert(e, carry):
        slot = lax.rem(e, WK)
        pltpu.make_async_copy(w_hbm.at[e], wbuf.at[slot], wsem.at[slot]).wait()
        bias = b_ref[pl.ds(e, 1), :]
        start = off_ref[e]
        nb16 = off_ref[e + 1] - start

        def blk(k, c):
            row0 = (start + k * (CH // BM)) * BM
            xb = xs_ref[pl.ds(row0, CH), :]
            y = lax.dot_general(xb, wbuf[slot], (((1,), (1,)), ((), ())),
                                preferred_element_type=jnp.float32)
            ys_ref[pl.ds(row0, CH), :] = y + bias
            return c

        lax.fori_loop(0, (nb16 + (CH // BM - 1)) // (CH // BM), blk, 0)

        @pl.when(e + WK < E)
        def _():
            start_fetch(e + WK)

        return carry

    lax.fori_loop(0, E, expert, 0)


def _grouped_matmul(off, xs, W, b):
    grid_spec = pltpu.PrefetchScalarGridSpec(
        num_scalar_prefetch=1,
        grid=(1,),
        in_specs=[
            pl.BlockSpec((PP, D), lambda i, off: (0, 0)),
            pl.BlockSpec(memory_space=pltpu.MemorySpace.HBM),
            pl.BlockSpec((E, D), lambda i, off: (0, 0)),
        ],
        out_specs=pl.BlockSpec((PP, D), lambda i, off: (0, 0)),
        scratch_shapes=[
            pltpu.VMEM((WK, D, D), jnp.float32),
            pltpu.SemaphoreType.DMA((WK,)),
        ],
    )
    return pl.pallas_call(
        _mm_body,
        grid_spec=grid_spec,
        out_shape=jax.ShapeDtypeStruct((PP, D), jnp.float32),
    )(off, xs, W, b)


_MESH = plsc.VectorSubcoreMesh(core_axis_name="c", subcore_axis_name="s")


@functools.partial(
    pl.kernel, mesh=_MESH,
    out_type=jax.ShapeDtypeStruct((PP, D), jnp.float32),
    scratch_types=[
        pltpu.VMEM((PER_W,), jnp.int32),
        pltpu.VMEM((PER_W, D), jnp.float32),
        pltpu.SemaphoreType.DMA,
    ],
)
def _sc_scatter(x_hbm, pos_hbm, xs_hbm, idx_v, rows_v, sem):
    wid = lax.axis_index("s") * NC + lax.axis_index("c")
    base = wid * PER_W
    pltpu.sync_copy(pos_hbm.at[wid], idx_v)
    pltpu.sync_copy(x_hbm.at[pl.ds(base, PER_W)], rows_v)
    pltpu.async_copy(rows_v, xs_hbm.at[idx_v], sem).wait()


@functools.partial(
    pl.kernel, mesh=_MESH,
    out_type=jax.ShapeDtypeStruct((T, D), jnp.float32),
    scratch_types=[
        pltpu.VMEM((PER_W,), jnp.int32),
        pltpu.VMEM((PER_W, D), jnp.float32),
        pltpu.SemaphoreType.DMA,
    ],
)
def _sc_gather(ys_hbm, pos_hbm, out_hbm, idx_v, rows_v, sem):
    wid = lax.axis_index("s") * NC + lax.axis_index("c")
    base = wid * PER_W
    pltpu.sync_copy(pos_hbm.at[wid], idx_v)
    pltpu.async_copy(ys_hbm.at[idx_v], rows_v, sem).wait()
    pltpu.sync_copy(rows_v, out_hbm.at[pl.ds(base, PER_W)])


def kernel(hidden_states, router_logits, W, b):
    x2d = hidden_states.reshape(T, D)
    pos, off = _routing(router_logits)
    pos2d = pos.reshape(NW, PER_W)
    off1 = off.reshape(NBPAD)
    xs = _sc_scatter(x2d, pos2d)
    ys = _grouped_matmul(off1, xs, W, b)
    out2d = _sc_gather(ys, pos2d)
    return out2d.reshape(hidden_states.shape[:-1] + (D,))

# --- scband reference (transcript-rebuilt; emitter-appended) ---
"""Pipeline reference for scband-smile-mo-elinear-87436944212180 (READ-ONLY COPY).

The authoritative reference and input builder live on the scoring server;
editing this copy changes nothing except your own understanding.
"""

import jax, jax.numpy as jnp
import numpy as np

E = 64
TOP_K = 1
D_IN = 768
D_OUT = 768
B = 1
S = 2048


def setup_inputs(seed: int = 0) -> dict:
    key = jax.random.key(seed)
    k1, k2, k3, k4 = jax.random.split(key, 4)
    hidden_states = jax.random.normal(k1, (B, S, D_IN), dtype=jnp.float32)
    router_logits = jax.random.normal(k2, (B * S, E), dtype=jnp.float32)
    # Expert weights: nn.Linear(in_features=768, out_features=768) per expert
    W = jax.random.normal(k3, (E, D_OUT, D_IN), dtype=jnp.float32) * 0.02
    b = jax.random.normal(k4, (E, D_OUT), dtype=jnp.float32) * 0.02
    return {"hidden_states": hidden_states, "router_logits": router_logits, "W": W, "b": b}


def _moe_forward(hidden_states, router_logits, W, b):
    input_shape = hidden_states.shape
    x = hidden_states.reshape(-1, D_IN)
    routing_weights = jax.nn.softmax(router_logits, axis=1)
    rw, selected_experts = jax.lax.top_k(routing_weights, TOP_K)
    rw = rw / jnp.sum(rw, axis=-1, keepdims=True)
    out = jnp.zeros((x.shape[0], D_OUT), dtype=x.dtype)
    # Equivalent to the per-expert gather / index_add_ loop in the torch module:
    # each token contributes coef_e(token) * (x @ W_e^T + b_e), where coef_e is the
    # (renormalized) routing weight if expert e was selected for that token, else 0.
    for e in range(E):
        coef = jnp.sum(jnp.where(selected_experts == e, rw, 0.0), axis=-1)
        out = out + coef[:, None] * (x @ W[e].T + b[e])
    return out.reshape(input_shape[:-1] + (D_OUT,))


def reference(hidden_states, router_logits, W, b):
    return _moe_forward(hidden_states, router_logits, W, b)

if __name__ == "__main__":
    import jax
    _d = setup_inputs()
    print(jax.jit(kernel)(*tuple(_d.values())))

</pallas_src>

<mosaic_0001>
#map = affine_map<(d0, d1) -> (0, 0)>
module attributes {stable_mosaic.version = 14 : i64} {
  func.func @_sc_scatter(%arg0: i32, %arg1: i32, %arg2: memref<2048x768xf32, #tpu.memory_space<hbm>>, %arg3: memref<32x64xi32, #tpu.memory_space<hbm>>, %arg4: memref<3120x768xf32, #tpu.memory_space<hbm>>, %arg5: memref<64xi32, #tpu.memory_space<vmem>>, %arg6: memref<64x768xf32, #tpu.memory_space<vmem>>, %arg7: memref<!tpu.dma_semaphore, #tpu.memory_space<semaphore_mem>>) attributes {dimension_semantics = [#tpu.dimension_semantics<core_parallel>, #tpu.dimension_semantics<subcore_parallel>], iteration_bounds = array<i64: 2, 16>, scalar_prefetch = 0 : i64, scratch_operands = 3 : i64, tpu.core_type = #tpu.core_type<sc_vector_subcore>, window_params = [{transform_indices = #map}, {transform_indices = #map}, {transform_indices = #map}]} {
    %mul3A = arith.constant 2 : i32
    %mul3A_0 = arith.muli %arg1, %mul3A : i32
    %add3A = arith.addi %mul3A_0, %arg0 : i32
    %mul3A_1 = arith.constant 64 : i32
    %mul3A_2 = arith.muli %add3A, %mul3A_1 : i32
    "tpu.region"() ({
      %run_scoped3A = tpu.sem_alloc : memref<!tpu.dma_semaphore, #tpu.memory_space<semaphore_mem>>
      %dma_start3A_7 = arith.constant 0 : i32
      %dma_start3A_8 = tpu.memref_slice %arg3[%add3A, %dma_start3A_7] : memref<32x64xi32, #tpu.memory_space<hbm>> -> memref<1x64xi32, #tpu.memory_space<hbm>>
      %dma_start3A_9 = tpu.memref_squeeze %dma_start3A_8 : memref<1x64xi32, #tpu.memory_space<hbm>> -> memref<64xi32, #tpu.memory_space<hbm>>
      %dma_start3A_10 = arith.constant 0 : i32
      %dma_start3A_11 = tpu.memref_slice %arg3[%add3A, %dma_start3A_10] : memref<32x64xi32, #tpu.memory_space<hbm>> -> memref<1x64xi32, #tpu.memory_space<hbm>>
      %dma_start3A_12 = tpu.memref_squeeze %dma_start3A_11 : memref<1x64xi32, #tpu.memory_space<hbm>> -> memref<64xi32, #tpu.memory_space<hbm>>
      tpu.enqueue_dma source(%dma_start3A_12 : memref<64xi32, #tpu.memory_space<hbm>>) target(%arg5 : memref<64xi32, #tpu.memory_space<vmem>>) target_semaphore(%run_scoped3A : memref<!tpu.dma_semaphore, #tpu.memory_space<semaphore_mem>>)
      %dma_wait3A_13 = arith.constant 0 : i32
      %dma_wait3A_14 = tpu.memref_slice %arg3[%add3A, %dma_wait3A_13] : memref<32x64xi32, #tpu.memory_space<hbm>> -> memref<1x64xi32, #tpu.memory_space<hbm>>
      %dma_wait3A_15 = tpu.memref_squeeze %dma_wait3A_14 : memref<1x64xi32, #tpu.memory_space<hbm>> -> memref<64xi32, #tpu.memory_space<hbm>>
      %dma_wait3A_16 = arith.constant 0 : i32
      %dma_wait3A_17 = tpu.memref_slice %arg3[%add3A, %dma_wait3A_16] : memref<32x64xi32, #tpu.memory_space<hbm>> -> memref<1x64xi32, #tpu.memory_space<hbm>>
      %dma_wait3A_18 = tpu.memref_squeeze %dma_wait3A_17 : memref<1x64xi32, #tpu.memory_space<hbm>> -> memref<64xi32, #tpu.memory_space<hbm>>
      tpu.wait_dma2 semaphore(%run_scoped3A : memref<!tpu.dma_semaphore, #tpu.memory_space<semaphore_mem>>) src(%dma_wait3A_18 : memref<64xi32, #tpu.memory_space<hbm>>) dst(%arg5 : memref<64xi32, #tpu.memory_space<vmem>>)
      tpu.yield
    }) : () -> ()
    "tpu.region"() ({
      %run_scoped3A = tpu.sem_alloc : memref<!tpu.dma_semaphore, #tpu.memory_space<semaphore_mem>>
      %dma_start3A_7 = arith.constant 0 : i32
      %dma_start3A_8 = tpu.memref_slice %arg2[%mul3A_2, %dma_start3A_7] : memref<2048x768xf32, #tpu.memory_space<hbm>> -> memref<64x768xf32, #tpu.memory_space<hbm>>
      %dma_start3A_9 = arith.constant 0 : i32
      %dma_start3A_10 = tpu.memref_slice %arg2[%mul3A_2, %dma_start3A_9] : memref<2048x768xf32, #tpu.memory_space<hbm>> -> memref<64x768xf32, #tpu.memory_space<hbm>>
      tpu.enqueue_dma source(%dma_start3A_10 : memref<64x768xf32, #tpu.memory_space<hbm>>) target(%arg6 : memref<64x768xf32, #tpu.memory_space<vmem>>) target_semaphore(%run_scoped3A : memref<!tpu.dma_semaphore, #tpu.memory_space<semaphore_mem>>)
      %dma_wait3A_11 = arith.constant 0 : i32
      %dma_wait3A_12 = tpu.memref_slice %arg2[%mul3A_2, %dma_wait3A_11] : memref<2048x768xf32, #tpu.memory_space<hbm>> -> memref<64x768xf32, #tpu.memory_space<hbm>>
      %dma_wait3A_13 = arith.constant 0 : i32
      %dma_wait3A_14 = tpu.memref_slice %arg2[%mul3A_2, %dma_wait3A_13] : memref<2048x768xf32, #tpu.memory_space<hbm>> -> memref<64x768xf32, #tpu.memory_space<hbm>>
      tpu.wait_dma2 semaphore(%run_scoped3A : memref<!tpu.dma_semaphore, #tpu.memory_space<semaphore_mem>>) src(%dma_wait3A_14 : memref<64x768xf32, #tpu.memory_space<hbm>>) dst(%arg6 : memref<64x768xf32, #tpu.memory_space<vmem>>)
      tpu.yield
    }) : () -> ()
    %dma_start3A = arith.constant 0 : i32
    %dma_start3A_3 = arith.constant 0 : i32
    %dma_start3A_4 = tpu.memref_slice %arg4[%dma_start3A, %dma_start3A_3] : memref<3120x768xf32, #tpu.memory_space<hbm>> -> memref<3120x768xf32, #tpu.memory_space<hbm>>
    tpu.enqueue_indirect_dma source(%arg6 : memref<64x768xf32, #tpu.memory_space<vmem>>) target(%dma_start3A_4 : memref<3120x768xf32, #tpu.memory_space<hbm>>) offsets(%arg5 : memref<64xi32, #tpu.memory_space<vmem>>) semaphore(%arg7 : memref<!tpu.dma_semaphore, #tpu.memory_space<semaphore_mem>>)
    %dma_wait3A = arith.constant 0 : i32
    %dma_wait3A_5 = arith.constant 0 : i32
    %dma_wait3A_6 = tpu.memref_slice %arg4[%dma_wait3A, %dma_wait3A_5] : memref<3120x768xf32, #tpu.memory_space<hbm>> -> memref<3120x768xf32, #tpu.memory_space<hbm>>
    tpu.wait_indirect_dma semaphore(%arg7 : memref<!tpu.dma_semaphore, #tpu.memory_space<semaphore_mem>>) src(%arg6 : memref<64x768xf32, #tpu.memory_space<vmem>>) dst(%dma_wait3A_6 : memref<3120x768xf32, #tpu.memory_space<hbm>>)
    return
  }
}

#map = affine_map<(d0, d1) -> (0, 0)>
module attributes {stable_mosaic.version = 14 : i64} {
  func.func @_sc_gather(%arg0: i32, %arg1: i32, %arg2: memref<3120x768xf32, #tpu.memory_space<hbm>>, %arg3: memref<32x64xi32, #tpu.memory_space<hbm>>, %arg4: memref<2048x768xf32, #tpu.memory_space<hbm>>, %arg5: memref<64xi32, #tpu.memory_space<vmem>>, %arg6: memref<64x768xf32, #tpu.memory_space<vmem>>, %arg7: memref<!tpu.dma_semaphore, #tpu.memory_space<semaphore_mem>>) attributes {dimension_semantics = [#tpu.dimension_semantics<core_parallel>, #tpu.dimension_semantics<subcore_parallel>], iteration_bounds = array<i64: 2, 16>, scalar_prefetch = 0 : i64, scratch_operands = 3 : i64, tpu.core_type = #tpu.core_type<sc_vector_subcore>, window_params = [{transform_indices = #map}, {transform_indices = #map}, {transform_indices = #map}]} {
    %mul3A = arith.constant 2 : i32
    %mul3A_0 = arith.muli %arg1, %mul3A : i32
    %add3A = arith.addi %mul3A_0, %arg0 : i32
    %mul3A_1 = arith.constant 64 : i32
    %mul3A_2 = arith.muli %add3A, %mul3A_1 : i32
    "tpu.region"() ({
      %run_scoped3A = tpu.sem_alloc : memref<!tpu.dma_semaphore, #tpu.memory_space<semaphore_mem>>
      %dma_start3A_7 = arith.constant 0 : i32
      %dma_start3A_8 = tpu.memref_slice %arg3[%add3A, %dma_start3A_7] : memref<32x64xi32, #tpu.memory_space<hbm>> -> memref<1x64xi32, #tpu.memory_space<hbm>>
      %dma_start3A_9 = tpu.memref_squeeze %dma_start3A_8 : memref<1x64xi32, #tpu.memory_space<hbm>> -> memref<64xi32, #tpu.memory_space<hbm>>
      %dma_start3A_10 = arith.constant 0 : i32
      %dma_start3A_11 = tpu.memref_slice %arg3[%add3A, %dma_start3A_10] : memref<32x64xi32, #tpu.memory_space<hbm>> -> memref<1x64xi32, #tpu.memory_space<hbm>>
      %dma_start3A_12 = tpu.memref_squeeze %dma_start3A_11 : memref<1x64xi32, #tpu.memory_space<hbm>> -> memref<64xi32, #tpu.memory_space<hbm>>
      tpu.enqueue_dma source(%dma_start3A_12 : memref<64xi32, #tpu.memory_space<hbm>>) target(%arg5 : memref<64xi32, #tpu.memory_space<vmem>>) target_semaphore(%run_scoped3A : memref<!tpu.dma_semaphore, #tpu.memory_space<semaphore_mem>>)
      %dma_wait3A_13 = arith.constant 0 : i32
      %dma_wait3A_14 = tpu.memref_slice %arg3[%add3A, %dma_wait3A_13] : memref<32x64xi32, #tpu.memory_space<hbm>> -> memref<1x64xi32, #tpu.memory_space<hbm>>
      %dma_wait3A_15 = tpu.memref_squeeze %dma_wait3A_14 : memref<1x64xi32, #tpu.memory_space<hbm>> -> memref<64xi32, #tpu.memory_space<hbm>>
      %dma_wait3A_16 = arith.constant 0 : i32
      %dma_wait3A_17 = tpu.memref_slice %arg3[%add3A, %dma_wait3A_16] : memref<32x64xi32, #tpu.memory_space<hbm>> -> memref<1x64xi32, #tpu.memory_space<hbm>>
      %dma_wait3A_18 = tpu.memref_squeeze %dma_wait3A_17 : memref<1x64xi32, #tpu.memory_space<hbm>> -> memref<64xi32, #tpu.memory_space<hbm>>
      tpu.wait_dma2 semaphore(%run_scoped3A : memref<!tpu.dma_semaphore, #tpu.memory_space<semaphore_mem>>) src(%dma_wait3A_18 : memref<64xi32, #tpu.memory_space<hbm>>) dst(%arg5 : memref<64xi32, #tpu.memory_space<vmem>>)
      tpu.yield
    }) : () -> ()
    %dma_start3A = arith.constant 0 : i32
    %dma_start3A_3 = arith.constant 0 : i32
    %dma_start3A_4 = tpu.memref_slice %arg2[%dma_start3A, %dma_start3A_3] : memref<3120x768xf32, #tpu.memory_space<hbm>> -> memref<3120x768xf32, #tpu.memory_space<hbm>>
    tpu.enqueue_indirect_dma source(%dma_start3A_4 : memref<3120x768xf32, #tpu.memory_space<hbm>>) target(%arg6 : memref<64x768xf32, #tpu.memory_space<vmem>>) offsets(%arg5 : memref<64xi32, #tpu.memory_space<vmem>>) semaphore(%arg7 : memref<!tpu.dma_semaphore, #tpu.memory_space<semaphore_mem>>)
    %dma_wait3A = arith.constant 0 : i32
    %dma_wait3A_5 = arith.constant 0 : i32
    %dma_wait3A_6 = tpu.memref_slice %arg2[%dma_wait3A, %dma_wait3A_5] : memref<3120x768xf32, #tpu.memory_space<hbm>> -> memref<3120x768xf32, #tpu.memory_space<hbm>>
    tpu.wait_indirect_dma semaphore(%arg7 : memref<!tpu.dma_semaphore, #tpu.memory_space<semaphore_mem>>) src(%dma_wait3A_6 : memref<3120x768xf32, #tpu.memory_space<hbm>>) dst(%arg6 : memref<64x768xf32, #tpu.memory_space<vmem>>)
    "tpu.region"() ({
      %run_scoped3A = tpu.sem_alloc : memref<!tpu.dma_semaphore, #tpu.memory_space<semaphore_mem>>
      %dma_start3A_7 = arith.constant 0 : i32
      %dma_start3A_8 = tpu.memref_slice %arg4[%mul3A_2, %dma_start3A_7] : memref<2048x768xf32, #tpu.memory_space<hbm>> -> memref<64x768xf32, #tpu.memory_space<hbm>>
      %dma_start3A_9 = arith.constant 0 : i32
      %dma_start3A_10 = tpu.memref_slice %arg4[%mul3A_2, %dma_start3A_9] : memref<2048x768xf32, #tpu.memory_space<hbm>> -> memref<64x768xf32, #tpu.memory_space<hbm>>
      tpu.enqueue_dma source(%arg6 : memref<64x768xf32, #tpu.memory_space<vmem>>) target(%dma_start3A_10 : memref<64x768xf32, #tpu.memory_space<hbm>>) target_semaphore(%run_scoped3A : memref<!tpu.dma_semaphore, #tpu.memory_space<semaphore_mem>>)
      %dma_wait3A_11 = arith.constant 0 : i32
      %dma_wait3A_12 = tpu.memref_slice %arg4[%mul3A_2, %dma_wait3A_11] : memref<2048x768xf32, #tpu.memory_space<hbm>> -> memref<64x768xf32, #tpu.memory_space<hbm>>
      %dma_wait3A_13 = arith.constant 0 : i32
      %dma_wait3A_14 = tpu.memref_slice %arg4[%mul3A_2, %dma_wait3A_13] : memref<2048x768xf32, #tpu.memory_space<hbm>> -> memref<64x768xf32, #tpu.memory_space<hbm>>
      tpu.wait_dma2 semaphore(%run_scoped3A : memref<!tpu.dma_semaphore, #tpu.memory_space<semaphore_mem>>) src(%arg6 : memref<64x768xf32, #tpu.memory_space<vmem>>) dst(%dma_wait3A_14 : memref<64x768xf32, #tpu.memory_space<hbm>>)
      tpu.yield
    }) : () -> ()
    return
  }
}

module attributes {stable_mosaic.version = 14 : i64} {
  func.func @_routing_body(%arg0: memref<2048x64xf32, #tpu.memory_space<vmem>>, %arg1: memref<2048x1xi32, #tpu.memory_space<vmem>>, %arg2: memref<256x1xi32, #tpu.memory_space<vmem>>) attributes {dimension_semantics = [], scalar_prefetch = 0 : i64, scratch_operands = 0 : i64, tpu.core_type = #tpu.core_type<tc>} {
    %get3A = arith.constant 0 : index
    %get3A_0 = arith.constant 0 : index
    %get3A_1 = vector.load %arg0[%get3A, %get3A_0] : memref<2048x64xf32, #tpu.memory_space<vmem>>, vector<2048x64xf32>
    %reduce_max3A = arith.constant dense<0xFF800000> : vector<2048xf32>
    %reduce_max3A_2 = vector.multi_reduction <maximumf>, %get3A_1, %reduce_max3A [1] : vector<2048x64xf32> to vector<2048xf32>
    %broadcast_in_dim3A = vector.shape_cast %reduce_max3A_2 : vector<2048xf32> to vector<2048x1xf32>
    %sub3A = vector.broadcast %broadcast_in_dim3A : vector<2048x1xf32> to vector<2048x64xf32>
    %sub3A_3 = arith.subf %get3A_1, %sub3A : vector<2048x64xf32>
    %exp3A = math.exp %sub3A_3 : vector<2048x64xf32>
    %reduce_sum3A = arith.constant dense<0.000000e+00> : vector<2048xf32>
    %reduce_sum3A_4 = vector.multi_reduction <add>, %exp3A, %reduce_sum3A [1] : vector<2048x64xf32> to vector<2048xf32>
    %broadcast_in_dim3A_5 = vector.shape_cast %reduce_sum3A_4 : vector<2048xf32> to vector<2048x1xf32>
    %div3A = vector.broadcast %broadcast_in_dim3A_5 : vector<2048x1xf32> to vector<2048x64xf32>
    %div3A_6 = arith.divf %exp3A, %div3A : vector<2048x64xf32>
    %iota3A = tpu.iota {dimensions = array<i32: 1>} : vector<2048x64xi32>
    %reduce_max3A_7 = arith.constant dense<0xFF800000> : vector<2048xf32>
    %reduce_max3A_8 = vector.multi_reduction <maximumf>, %div3A_6, %reduce_max3A_7 [1] : vector<2048x64xf32> to vector<2048xf32>
    %broadcast_in_dim3A_9 = vector.shape_cast %reduce_max3A_8 : vector<2048xf32> to vector<2048x1xf32>
    %eq3A = vector.broadcast %broadcast_in_dim3A_9 : vector<2048x1xf32> to vector<2048x64xf32>
    %eq3A_10 = arith.cmpf oeq, %div3A_6, %eq3A : vector<2048x64xf32>
    %jit3A = arith.constant 64 : i32
    %broadcast_in_dim3A_11 = vector.broadcast %jit3A : i32 to vector<2048x64xi32>
    %select_n3A = arith.select %eq3A_10, %iota3A, %broadcast_in_dim3A_11 : vector<2048x64xi1>, vector<2048x64xi32>
    %reduce_min3A = arith.constant dense<2147483647> : vector<2048xi32>
    %reduce_min3A_12 = vector.multi_reduction <minsi>, %select_n3A, %reduce_min3A [1] : vector<2048x64xi32> to vector<2048xi32>
    %broadcast_in_dim3A_13 = vector.shape_cast %reduce_min3A_12 : vector<2048xi32> to vector<2048x1xi32>
    %eq3A_14 = vector.broadcast %broadcast_in_dim3A_13 : vector<2048x1xi32> to vector<2048x64xi32>
    %eq3A_15 = arith.cmpi eq, %eq3A_14, %iota3A : vector<2048x64xi32>
    %convert_element_type3A = arith.extui %eq3A_15 : vector<2048x64xi1> to vector<2048x64xi32>
    %convert_element_type3A_16 = arith.sitofp %convert_element_type3A : vector<2048x64xi32> to vector<2048x64xf32>
    %iota3A_17 = tpu.iota {dimensions = array<i32: 0>} : vector<2048x2048xi32>
    %iota3A_18 = tpu.iota {dimensions = array<i32: 1>} : vector<2048x2048xi32>
    %le3A = arith.cmpi sle, %iota3A_18, %iota3A_17 : vector<2048x2048xi32>
    %convert_element_type3A_19 = arith.extui %le3A : vector<2048x2048xi1> to vector<2048x2048xi32>
    %convert_element_type3A_20 = arith.sitofp %convert_element_type3A_19 : vector<2048x2048xi32> to vector<2048x2048xf32>
    %dot_general3A = arith.constant dense<0.000000e+00> : vector<2048x64xf32>
    %dot_general3A_21 = tpu.matmul %convert_element_type3A_20, %convert_element_type3A_16, %dot_general3A {dimension_numbers = #tpu.dot_dimension_numbers<[1], [0], [0], [1], [0, 0, 1, 1], [], []>, transpose_lhs_hint = false} : vector<2048x2048xf32>, vector<2048x64xf32>, vector<2048x64xf32> -> vector<2048x64xf32>
    %mul3A = arith.mulf %convert_element_type3A_16, %dot_general3A_21 : vector<2048x64xf32>
    %reduce_sum3A_22 = arith.constant dense<0.000000e+00> : vector<2048xf32>
    %reduce_sum3A_23 = vector.multi_reduction <add>, %mul3A, %reduce_sum3A_22 [1] : vector<2048x64xf32> to vector<2048xf32>
    %broadcast_in_dim3A_24 = vector.shape_cast %reduce_sum3A_23 : vector<2048xf32> to vector<2048x1xf32>
    %sub3A_25 = arith.constant 1.000000e+00 : f32
    %sub3A_26 = vector.broadcast %sub3A_25 : f32 to vector<2048x1xf32>
    %sub3A_27 = arith.subf %broadcast_in_dim3A_24, %sub3A_26 : vector<2048x1xf32>
    %slice3A = vector.extract_strided_slice %dot_general3A_21 {offsets = [2047, 0], sizes = [1, 64], strides = [1, 1]} : vector<2048x64xf32> to vector<1x64xf32>
    %convert_element_type3A_28 = arith.fptosi %slice3A : vector<1x64xf32> to vector<1x64xi32>
    %add3A = arith.constant 15 : i32
    %add3A_29 = vector.broadcast %add3A : i32 to vector<1x64xi32>
    %add3A_30 = arith.addi %convert_element_type3A_28, %add3A_29 : vector<1x64xi32>
    %jit3A_31 = arith.constant 16 : i32
    %div3A_32 = vector.broadcast %jit3A_31 : i32 to vector<1x64xi32>
    %div3A_33 = arith.divsi %add3A_30, %div3A_32 : vector<1x64xi32>
    %sign3A = arith.constant 0 : i32
    %sign3A_34 = vector.broadcast %sign3A : i32 to vector<1x64xi32>
    %sign3A_35 = arith.cmpi sgt, %add3A_30, %sign3A_34 : vector<1x64xi32>
    %sign3A_36 = arith.extui %sign3A_35 : vector<1x64xi1> to vector<1x64xi32>
    %sign3A_37 = arith.constant 0 : i32
    %sign3A_38 = vector.broadcast %sign3A_37 : i32 to vector<1x64xi32>
    %sign3A_39 = arith.cmpi slt, %add3A_30, %sign3A_38 : vector<1x64xi32>
    %sign3A_40 = arith.extui %sign3A_39 : vector<1x64xi1> to vector<1x64xi32>
    %sign3A_41 = arith.subi %sign3A_36, %sign3A_40 : vector<1x64xi32>
    %sign3A_42 = arith.constant 0 : i32
    %sign3A_43 = arith.cmpi sgt, %jit3A_31, %sign3A_42 : i32
    %sign3A_44 = arith.extui %sign3A_43 : i1 to i32
    %sign3A_45 = arith.constant 0 : i32
    %sign3A_46 = arith.cmpi slt, %jit3A_31, %sign3A_45 : i32
    %sign3A_47 = arith.extui %sign3A_46 : i1 to i32
    %sign3A_48 = arith.subi %sign3A_44, %sign3A_47 : i32
    %ne3A = vector.broadcast %sign3A_48 : i32 to vector<1x64xi32>
    %ne3A_49 = arith.cmpi ne, %sign3A_41, %ne3A : vector<1x64xi32>
    %rem3A = vector.broadcast %jit3A_31 : i32 to vector<1x64xi32>
    %rem3A_50 = arith.remsi %add3A_30, %rem3A : vector<1x64xi32>
    %ne3A_51 = arith.constant 0 : i32
    %ne3A_52 = vector.broadcast %ne3A_51 : i32 to vector<1x64xi32>
    %ne3A_53 = arith.cmpi ne, %rem3A_50, %ne3A_52 : vector<1x64xi32>
    %and3A = arith.andi %ne3A_49, %ne3A_53 : vector<1x64xi1>
    %sub3A_54 = arith.constant 1 : i32
    %sub3A_55 = vector.broadcast %sub3A_54 : i32 to vector<1x64xi32>
    %sub3A_56 = arith.subi %div3A_33, %sub3A_55 : vector<1x64xi32>
    %select_n3A_57 = arith.select %and3A, %sub3A_56, %div3A_33 : vector<1x64xi1>, vector<1x64xi32>
    %convert_element_type3A_58 = arith.sitofp %select_n3A_57 : vector<1x64xi32> to vector<1x64xf32>
    %iota3A_59 = tpu.iota {dimensions = array<i32: 0>} : vector<64x64xi32>
    %iota3A_60 = tpu.iota {dimensions = array<i32: 1>} : vector<64x64xi32>
    %lt3A = arith.cmpi slt, %iota3A_59, %iota3A_60 : vector<64x64xi32>
    %convert_element_type3A_61 = arith.extui %lt3A : vector<64x64xi1> to vector<64x64xi32>
    %convert_element_type3A_62 = arith.sitofp %convert_element_type3A_61 : vector<64x64xi32> to vector<64x64xf32>
    %dot_general3A_63 = arith.constant dense<0.000000e+00> : vector<1x64xf32>
    %dot_general3A_64 = tpu.matmul %convert_element_type3A_58, %convert_element_type3A_62, %dot_general3A_63 {dimension_numbers = #tpu.dot_dimension_numbers<[1], [0], [0], [1], [0, 0, 1, 1], [], []>, transpose_lhs_hint = false} : vector<1x64xf32>, vector<64x64xf32>, vector<1x64xf32> -> vector<1x64xf32>
    %mul3A_65 = arith.constant 1.600000e+01 : f32
    %mul3A_66 = vector.broadcast %mul3A_65 : f32 to vector<1x64xf32>
    %mul3A_67 = arith.mulf %dot_general3A_64, %mul3A_66 : vector<1x64xf32>
    %mul3A_68 = vector.broadcast %mul3A_67 : vector<1x64xf32> to vector<2048x64xf32>
    %mul3A_69 = arith.mulf %convert_element_type3A_16, %mul3A_68 : vector<2048x64xf32>
    %reduce_sum3A_70 = arith.constant dense<0.000000e+00> : vector<2048xf32>
    %reduce_sum3A_71 = vector.multi_reduction <add>, %mul3A_69, %reduce_sum3A_70 [1] : vector<2048x64xf32> to vector<2048xf32>
    %broadcast_in_dim3A_72 = vector.shape_cast %reduce_sum3A_71 : vector<2048xf32> to vector<2048x1xf32>
    %add3A_73 = arith.addf %broadcast_in_dim3A_72, %sub3A_27 : vector<2048x1xf32>
    %convert_element_type3A_74 = arith.fptosi %add3A_73 : vector<2048x1xf32> to vector<2048x1xi32>
    %swap3A = arith.constant 0 : index
    %swap3A_75 = arith.constant 0 : index
    %swap3A_76 = vector.load %arg1[%swap3A, %swap3A_75] : memref<2048x1xi32, #tpu.memory_space<vmem>>, vector<2048x1xi32>
    tpu.vector_store %arg1[%swap3A, %swap3A_75], %convert_element_type3A_74 {strides = array<i32>} : memref<2048x1xi32, #tpu.memory_space<vmem>>, vector<2048x1xi32>,
    %iota3A_77 = tpu.iota {dimensions = array<i32: 0>} : vector<256x64xi32>
    %iota3A_78 = tpu.iota {dimensions = array<i32: 1>} : vector<256x64xi32>
    %lt3A_79 = arith.cmpi slt, %iota3A_78, %iota3A_77 : vector<256x64xi32>
    %jit3A_80 = arith.constant 0.000000e+00 : f32
    %broadcast_in_dim3A_81 = vector.shape_cast %convert_element_type3A_58 : vector<1x64xf32> to vector<1x64xf32>
    %broadcast_in_dim3A_82 = vector.broadcast %broadcast_in_dim3A_81 : vector<1x64xf32> to vector<256x64xf32>
    %broadcast_in_dim3A_83 = vector.broadcast %jit3A_80 : f32 to vector<256x64xf32>
    %select_n3A_84 = arith.select %lt3A_79, %broadcast_in_dim3A_82, %broadcast_in_dim3A_83 : vector<256x64xi1>, vector<256x64xf32>
    %reduce_sum3A_85 = arith.constant dense<0.000000e+00> : vector<256xf32>
    %reduce_sum3A_86 = vector.multi_reduction <add>, %select_n3A_84, %reduce_sum3A_85 [1] : vector<256x64xf32> to vector<256xf32>
    %broadcast_in_dim3A_87 = vector.shape_cast %reduce_sum3A_86 : vector<256xf32> to vector<256x1xf32>
    %convert_element_type3A_88 = arith.fptosi %broadcast_in_dim3A_87 : vector<256x1xf32> to vector<256x1xi32>
    %swap3A_89 = arith.constant 0 : index
    %swap3A_90 = arith.constant 0 : index
    %swap3A_91 = vector.load %arg2[%swap3A_89, %swap3A_90] : memref<256x1xi32, #tpu.memory_space<vmem>>, vector<256x1xi32>
    tpu.vector_store %arg2[%swap3A_89, %swap3A_90], %convert_element_type3A_88 {strides = array<i32>} : memref<256x1xi32, #tpu.memory_space<vmem>>, vector<256x1xi32>,
    return
  }
}

module attributes {stable_mosaic.version = 14 : i64} {
  func.func @_mm_body(%arg0: i32, %arg1: memref<256xi32, #tpu.memory_space<smem>>, %arg2: memref<3120x768xf32, #tpu.memory_space<vmem>>, %arg3: memref<64x768x768xf32, #tpu.memory_space<hbm>>, %arg4: memref<64x768xf32, #tpu.memory_space<vmem>>, %arg5: memref<3120x768xf32, #tpu.memory_space<vmem>>, %arg6: memref<4x768x768xf32, #tpu.memory_space<vmem>>, %arg7: memref<4x!tpu.dma_semaphore, #tpu.memory_space<semaphore_mem>>) attributes {dimension_semantics = [#tpu.dimension_semantics<arbitrary>], iteration_bounds = array<i64: 1>, scalar_prefetch = 1 : i64, scratch_operands = 2 : i64, tpu.core_type = #tpu.core_type<tc>, window_params = [{pipeline_mode = #tpu.pipeline_mode<synchronous>, transform_indices = @transform_0, window_bounds = array<i64: 3120, 768>}, {}, {pipeline_mode = #tpu.pipeline_mode<synchronous>, transform_indices = @transform_2, window_bounds = array<i64: 64, 768>}, {pipeline_mode = #tpu.pipeline_mode<synchronous>, transform_indices = @transform_3, window_bounds = array<i64: 3120, 768>}]} {
    %rem3A = arith.constant 0 : i32
    %rem3A_0 = arith.constant 4 : i32
    %rem3A_1 = arith.remsi %rem3A, %rem3A_0 : i32
    %dma_start3A = arith.constant 0 : i32
    %dma_start3A_2 = tpu.memref_slice %arg7[%rem3A_1] : memref<4x!tpu.dma_semaphore, #tpu.memory_space<semaphore_mem>> -> memref<1x!tpu.dma_semaphore, #tpu.memory_space<semaphore_mem>>
    %dma_start3A_3 = tpu.memref_squeeze %dma_start3A_2 : memref<1x!tpu.dma_semaphore, #tpu.memory_space<semaphore_mem>> -> memref<!tpu.dma_semaphore, #tpu.memory_space<semaphore_mem>>
    %dma_start3A_4 = arith.constant 0 : i32
    %dma_start3A_5 = arith.constant 0 : i32
    %dma_start3A_6 = tpu.memref_slice %arg6[%rem3A_1, %dma_start3A_4, %dma_start3A_5] : memref<4x768x768xf32, #tpu.memory_space<vmem>> -> memref<1x768x768xf32, #tpu.memory_space<vmem>>
    %dma_start3A_7 = tpu.memref_squeeze %dma_start3A_6 : memref<1x768x768xf32, #tpu.memory_space<vmem>> -> memref<768x768xf32, #tpu.memory_space<vmem>>
    %dma_start3A_8 = arith.constant 0 : i32
    %dma_start3A_9 = arith.constant 0 : i32
    %dma_start3A_10 = tpu.memref_slice %arg3[%dma_start3A, %dma_start3A_8, %dma_start3A_9] : memref<64x768x768xf32, #tpu.memory_space<hbm>> -> memref<1x768x768xf32, #tpu.memory_space<hbm>>
    %dma_start3A_11 = tpu.memref_squeeze %dma_start3A_10 : memref<1x768x768xf32, #tpu.memory_space<hbm>> -> memref<768x768xf32, #tpu.memory_space<hbm>>
    tpu.enqueue_dma source(%dma_start3A_11 : memref<768x768xf32, #tpu.memory_space<hbm>>) target(%dma_start3A_7 : memref<768x768xf32, #tpu.memory_space<vmem>>) target_semaphore(%dma_start3A_3 : memref<!tpu.dma_semaphore, #tpu.memory_space<semaphore_mem>>)
    %rem3A_12 = arith.constant 1 : i32
    %rem3A_13 = arith.constant 4 : i32
    %rem3A_14 = arith.remsi %rem3A_12, %rem3A_13 : i32
    %dma_start3A_15 = arith.constant 1 : i32
    %dma_start3A_16 = tpu.memref_slice %arg7[%rem3A_14] : memref<4x!tpu.dma_semaphore, #tpu.memory_space<semaphore_mem>> -> memref<1x!tpu.dma_semaphore, #tpu.memory_space<semaphore_mem>>
    %dma_start3A_17 = tpu.memref_squeeze %dma_start3A_16 : memref<1x!tpu.dma_semaphore, #tpu.memory_space<semaphore_mem>> -> memref<!tpu.dma_semaphore, #tpu.memory_space<semaphore_mem>>
    %dma_start3A_18 = arith.constant 0 : i32
    %dma_start3A_19 = arith.constant 0 : i32
    %dma_start3A_20 = tpu.memref_slice %arg6[%rem3A_14, %dma_start3A_18, %dma_start3A_19] : memref<4x768x768xf32, #tpu.memory_space<vmem>> -> memref<1x768x768xf32, #tpu.memory_space<vmem>>
    %dma_start3A_21 = tpu.memref_squeeze %dma_start3A_20 : memref<1x768x768xf32, #tpu.memory_space<vmem>> -> memref<768x768xf32, #tpu.memory_space<vmem>>
    %dma_start3A_22 = arith.constant 0 : i32
    %dma_start3A_23 = arith.constant 0 : i32
    %dma_start3A_24 = tpu.memref_slice %arg3[%dma_start3A_15, %dma_start3A_22, %dma_start3A_23] : memref<64x768x768xf32, #tpu.memory_space<hbm>> -> memref<1x768x768xf32, #tpu.memory_space<hbm>>
    %dma_start3A_25 = tpu.memref_squeeze %dma_start3A_24 : memref<1x768x768xf32, #tpu.memory_space<hbm>> -> memref<768x768xf32, #tpu.memory_space<hbm>>
    tpu.enqueue_dma source(%dma_start3A_25 : memref<768x768xf32, #tpu.memory_space<hbm>>) target(%dma_start3A_21 : memref<768x768xf32, #tpu.memory_space<vmem>>) target_semaphore(%dma_start3A_17 : memref<!tpu.dma_semaphore, #tpu.memory_space<semaphore_mem>>)
    %rem3A_26 = arith.constant 2 : i32
    %rem3A_27 = arith.constant 4 : i32
    %rem3A_28 = arith.remsi %rem3A_26, %rem3A_27 : i32
    %dma_start3A_29 = arith.constant 2 : i32
    %dma_start3A_30 = tpu.memref_slice %arg7[%rem3A_28] : memref<4x!tpu.dma_semaphore, #tpu.memory_space<semaphore_mem>> -> memref<1x!tpu.dma_semaphore, #tpu.memory_space<semaphore_mem>>
    %dma_start3A_31 = tpu.memref_squeeze %dma_start3A_30 : memref<1x!tpu.dma_semaphore, #tpu.memory_space<semaphore_mem>> -> memref<!tpu.dma_semaphore, #tpu.memory_space<semaphore_mem>>
    %dma_start3A_32 = arith.constant 0 : i32
    %dma_start3A_33 = arith.constant 0 : i32
    %dma_start3A_34 = tpu.memref_slice %arg6[%rem3A_28, %dma_start3A_32, %dma_start3A_33] : memref<4x768x768xf32, #tpu.memory_space<vmem>> -> memref<1x768x768xf32, #tpu.memory_space<vmem>>
    %dma_start3A_35 = tpu.memref_squeeze %dma_start3A_34 : memref<1x768x768xf32, #tpu.memory_space<vmem>> -> memref<768x768xf32, #tpu.memory_space<vmem>>
    %dma_start3A_36 = arith.constant 0 : i32
    %dma_start3A_37 = arith.constant 0 : i32
    %dma_start3A_38 = tpu.memref_slice %arg3[%dma_start3A_29, %dma_start3A_36, %dma_start3A_37] : memref<64x768x768xf32, #tpu.memory_space<hbm>> -> memref<1x768x768xf32, #tpu.memory_space<hbm>>
    %dma_start3A_39 = tpu.memref_squeeze %dma_start3A_38 : memref<1x768x768xf32, #tpu.memory_space<hbm>> -> memref<768x768xf32, #tpu.memory_space<hbm>>
    tpu.enqueue_dma source(%dma_start3A_39 : memref<768x768xf32, #tpu.memory_space<hbm>>) target(%dma_start3A_35 : memref<768x768xf32, #tpu.memory_space<vmem>>) target_semaphore(%dma_start3A_31 : memref<!tpu.dma_semaphore, #tpu.memory_space<semaphore_mem>>)
    %rem3A_40 = arith.constant 3 : i32
    %rem3A_41 = arith.constant 4 : i32
    %rem3A_42 = arith.remsi %rem3A_40, %rem3A_41 : i32
    %dma_start3A_43 = arith.constant 3 : i32
    %dma_start3A_44 = tpu.memref_slice %arg7[%rem3A_42] : memref<4x!tpu.dma_semaphore, #tpu.memory_space<semaphore_mem>> -> memref<1x!tpu.dma_semaphore, #tpu.memory_space<semaphore_mem>>
    %dma_start3A_45 = tpu.memref_squeeze %dma_start3A_44 : memref<1x!tpu.dma_semaphore, #tpu.memory_space<semaphore_mem>> -> memref<!tpu.dma_semaphore, #tpu.memory_space<semaphore_mem>>
    %dma_start3A_46 = arith.constant 0 : i32
    %dma_start3A_47 = arith.constant 0 : i32
    %dma_start3A_48 = tpu.memref_slice %arg6[%rem3A_42, %dma_start3A_46, %dma_start3A_47] : memref<4x768x768xf32, #tpu.memory_space<vmem>> -> memref<1x768x768xf32, #tpu.memory_space<vmem>>
    %dma_start3A_49 = tpu.memref_squeeze %dma_start3A_48 : memref<1x768x768xf32, #tpu.memory_space<vmem>> -> memref<768x768xf32, #tpu.memory_space<vmem>>
    %dma_start3A_50 = arith.constant 0 : i32
    %dma_start3A_51 = arith.constant 0 : i32
    %dma_start3A_52 = tpu.memref_slice %arg3[%dma_start3A_43, %dma_start3A_50, %dma_start3A_51] : memref<64x768x768xf32, #tpu.memory_space<hbm>> -> memref<1x768x768xf32, #tpu.memory_space<hbm>>
    %dma_start3A_53 = tpu.memref_squeeze %dma_start3A_52 : memref<1x768x768xf32, #tpu.memory_space<hbm>> -> memref<768x768xf32, #tpu.memory_space<hbm>>
    tpu.enqueue_dma source(%dma_start3A_53 : memref<768x768xf32, #tpu.memory_space<hbm>>) target(%dma_start3A_49 : memref<768x768xf32, #tpu.memory_space<vmem>>) target_semaphore(%dma_start3A_45 : memref<!tpu.dma_semaphore, #tpu.memory_space<semaphore_mem>>)
    %scan3A = arith.constant 0 : i32
    %scan3A_54 = arith.constant 64 : i32
    %scan3A_55 = arith.addi %scan3A, %scan3A_54 : i32
    %scan3A_56 = arith.constant 1 : i32
    scf.for %scan3A_58 = %scan3A to %scan3A_55 step %scan3A_56  : i32 {
      %rem3A_59 = arith.constant 4 : i32
      %rem3A_60 = arith.remsi %scan3A_58, %rem3A_59 : i32
      %dma_wait3A = tpu.memref_slice %arg7[%rem3A_60] : memref<4x!tpu.dma_semaphore, #tpu.memory_space<semaphore_mem>> -> memref<1x!tpu.dma_semaphore, #tpu.memory_space<semaphore_mem>>
      %dma_wait3A_61 = tpu.memref_squeeze %dma_wait3A : memref<1x!tpu.dma_semaphore, #tpu.memory_space<semaphore_mem>> -> memref<!tpu.dma_semaphore, #tpu.memory_space<semaphore_mem>>
      %dma_wait3A_62 = arith.constant 0 : i32
      %dma_wait3A_63 = arith.constant 0 : i32
      %dma_wait3A_64 = tpu.memref_slice %arg6[%rem3A_60, %dma_wait3A_62, %dma_wait3A_63] : memref<4x768x768xf32, #tpu.memory_space<vmem>> -> memref<1x768x768xf32, #tpu.memory_space<vmem>>
      %dma_wait3A_65 = tpu.memref_squeeze %dma_wait3A_64 : memref<1x768x768xf32, #tpu.memory_space<vmem>> -> memref<768x768xf32, #tpu.memory_space<vmem>>
      %dma_wait3A_66 = arith.constant 0 : i32
      %dma_wait3A_67 = arith.constant 0 : i32
      %dma_wait3A_68 = tpu.memref_slice %arg3[%scan3A_58, %dma_wait3A_66, %dma_wait3A_67] : memref<64x768x768xf32, #tpu.memory_space<hbm>> -> memref<1x768x768xf32, #tpu.memory_space<hbm>>
      %dma_wait3A_69 = tpu.memref_squeeze %dma_wait3A_68 : memref<1x768x768xf32, #tpu.memory_space<hbm>> -> memref<768x768xf32, #tpu.memory_space<hbm>>
      tpu.wait_dma2 semaphore(%dma_wait3A_61 : memref<!tpu.dma_semaphore, #tpu.memory_space<semaphore_mem>>) src(%dma_wait3A_69 : memref<768x768xf32, #tpu.memory_space<hbm>>) dst(%dma_wait3A_65 : memref<768x768xf32, #tpu.memory_space<vmem>>)
      %get3A = arith.index_cast %scan3A_58 : i32 to index
      %get3A_70 = arith.constant 0 : index
      %get3A_71 = vector.load %arg4[%get3A, %get3A_70] : memref<64x768xf32, #tpu.memory_space<vmem>>, vector<1x768xf32>
      %get3A_72 = arith.index_cast %scan3A_58 : i32 to index
      %get3A_73 = memref.load %arg1[%get3A_72] : memref<256xi32, #tpu.memory_space<smem>>
      %add3A = arith.constant 1 : i32
      %add3A_74 = arith.addi %scan3A_58, %add3A : i32
      %get3A_75 = arith.index_cast %add3A_74 : i32 to index
      %get3A_76 = memref.load %arg1[%get3A_75] : memref<256xi32, #tpu.memory_space<smem>>
      %sub3A = arith.subi %get3A_76, %get3A_73 : i32
      %add3A_77 = arith.constant 7 : i32
      %add3A_78 = arith.addi %sub3A, %add3A_77 : i32
      %jit3A = arith.constant 8 : i32
      %div3A = arith.divsi %add3A_78, %jit3A : i32
      %sign3A = arith.constant 0 : i32
      %sign3A_79 = arith.cmpi sgt, %add3A_78, %sign3A : i32
      %sign3A_80 = arith.extui %sign3A_79 : i1 to i32
      %sign3A_81 = arith.constant 0 : i32
      %sign3A_82 = arith.cmpi slt, %add3A_78, %sign3A_81 : i32
      %sign3A_83 = arith.extui %sign3A_82 : i1 to i32
      %sign3A_84 = arith.subi %sign3A_80, %sign3A_83 : i32
      %sign3A_85 = arith.constant 0 : i32
      %sign3A_86 = arith.cmpi sgt, %jit3A, %sign3A_85 : i32
      %sign3A_87 = arith.extui %sign3A_86 : i1 to i32
      %sign3A_88 = arith.constant 0 : i32
      %sign3A_89 = arith.cmpi slt, %jit3A, %sign3A_88 : i32
      %sign3A_90 = arith.extui %sign3A_89 : i1 to i32
      %sign3A_91 = arith.subi %sign3A_87, %sign3A_90 : i32
      %ne3A = arith.cmpi ne, %sign3A_84, %sign3A_91 : i32
      %rem3A_92 = arith.remsi %add3A_78, %jit3A : i32
      %ne3A_93 = arith.constant 0 : i32
      %ne3A_94 = arith.cmpi ne, %rem3A_92, %ne3A_93 : i32
      %and3A = arith.andi %ne3A, %ne3A_94 : i1
      %sub3A_95 = arith.constant 1 : i32
      %sub3A_96 = arith.subi %div3A, %sub3A_95 : i32
      %select_n3A = arith.select %and3A, %sub3A_96, %div3A : i32
      %while3A = arith.constant 0 : i32
      %while3A_97 = arith.constant 0 : i32
      %while3A_98 = arith.subi %select_n3A, %while3A_97 : i32
      %while3A_99 = arith.addi %while3A_97, %while3A_98 : i32
      %while3A_100 = arith.constant 1 : i32
      %while3A_101 = arith.divsi %while3A_98, %while3A_100 : i32
      %while3A_102 = arith.muli %while3A_101, %while3A_100 : i32
      %while3A_103 = arith.addi %while3A_97, %while3A_102 : i32
      %while3A_104 = arith.constant 1 : i32
      scf.for %while3A_110 = %while3A_97 to %while3A_103 step %while3A_104  : i32 {
        %mul3A = arith.constant 8 : i32
        %mul3A_111 = arith.muli %while3A_110, %mul3A : i32
        %add3A_112 = arith.addi %get3A_73, %mul3A_111 : i32
        %mul3A_113 = arith.constant 16 : i32
        %mul3A_114 = arith.muli %add3A_112, %mul3A_113 : i32
        %get3A_115 = arith.index_cast %mul3A_114 : i32 to index
        %get3A_116 = arith.constant 0 : index
        %get3A_117 = vector.load %arg2[%get3A_115, %get3A_116] : memref<3120x768xf32, #tpu.memory_space<vmem>>, vector<128x768xf32>
        %get3A_118 = arith.index_cast %rem3A_60 : i32 to index
        %get3A_119 = arith.constant 0 : index
        %get3A_120 = arith.constant 0 : index
        %get3A_121 = vector.load %arg6[%get3A_118, %get3A_119, %get3A_120] : memref<4x768x768xf32, #tpu.memory_space<vmem>>, vector<1x768x768xf32>
        %get3A_122 = vector.shape_cast %get3A_121 : vector<1x768x768xf32> to vector<768x768xf32>
        %dot_general3A = arith.constant dense<0.000000e+00> : vector<128x768xf32>
        %dot_general3A_123 = tpu.matmul %get3A_117, %get3A_122, %dot_general3A {dimension_numbers = #tpu.dot_dimension_numbers<[1], [1], [0], [0], [0, 0, 1, 0], [], []>, transpose_lhs_hint = false} : vector<128x768xf32>, vector<768x768xf32>, vector<128x768xf32> -> vector<128x768xf32>
        %add3A_124 = vector.broadcast %get3A_71 : vector<1x768xf32> to vector<128x768xf32>
        %add3A_125 = arith.addf %dot_general3A_123, %add3A_124 : vector<128x768xf32>
        %swap3A = arith.index_cast %mul3A_114 : i32 to index
        %swap3A_126 = arith.constant 0 : index
        %swap3A_127 = vector.load %arg5[%swap3A, %swap3A_126] : memref<3120x768xf32, #tpu.memory_space<vmem>>, vector<128x768xf32>
        tpu.vector_store %arg5[%swap3A, %swap3A_126], %add3A_125 {strides = array<i32>} : memref<3120x768xf32, #tpu.memory_space<vmem>>, vector<128x768xf32>,
      }
      %while3A_105 = arith.constant 1 : i32
      scf.for %while3A_110 = %while3A_103 to %while3A_99 step %while3A_105  : i32 {
        %mul3A = arith.constant 8 : i32
        %mul3A_111 = arith.muli %while3A_110, %mul3A : i32
        %add3A_112 = arith.addi %get3A_73, %mul3A_111 : i32
        %mul3A_113 = arith.constant 16 : i32
        %mul3A_114 = arith.muli %add3A_112, %mul3A_113 : i32
        %get3A_115 = arith.index_cast %mul3A_114 : i32 to index
        %get3A_116 = arith.constant 0 : index
        %get3A_117 = vector.load %arg2[%get3A_115, %get3A_116] : memref<3120x768xf32, #tpu.memory_space<vmem>>, vector<128x768xf32>
        %get3A_118 = arith.index_cast %rem3A_60 : i32 to index
        %get3A_119 = arith.constant 0 : index
        %get3A_120 = arith.constant 0 : index
        %get3A_121 = vector.load %arg6[%get3A_118, %get3A_119, %get3A_120] : memref<4x768x768xf32, #tpu.memory_space<vmem>>, vector<1x768x768xf32>
        %get3A_122 = vector.shape_cast %get3A_121 : vector<1x768x768xf32> to vector<768x768xf32>
        %dot_general3A = arith.constant dense<0.000000e+00> : vector<128x768xf32>
        %dot_general3A_123 = tpu.matmul %get3A_117, %get3A_122, %dot_general3A {dimension_numbers = #tpu.dot_dimension_numbers<[1], [1], [0], [0], [0, 0, 1, 0], [], []>, transpose_lhs_hint = false} : vector<128x768xf32>, vector<768x768xf32>, vector<128x768xf32> -> vector<128x768xf32>
        %add3A_124 = vector.broadcast %get3A_71 : vector<1x768xf32> to vector<128x768xf32>
        %add3A_125 = arith.addf %dot_general3A_123, %add3A_124 : vector<128x768xf32>
        %swap3A = arith.index_cast %mul3A_114 : i32 to index
        %swap3A_126 = arith.constant 0 : index
        %swap3A_127 = vector.load %arg5[%swap3A, %swap3A_126] : memref<3120x768xf32, #tpu.memory_space<vmem>>, vector<128x768xf32>
        tpu.vector_store %arg5[%swap3A, %swap3A_126], %add3A_125 {strides = array<i32>} : memref<3120x768xf32, #tpu.memory_space<vmem>>, vector<128x768xf32>,
      }
      %add3A_106 = arith.constant 4 : i32
      %add3A_107 = arith.addi %scan3A_58, %add3A_106 : i32
      %lt3A = arith.constant 64 : i32
      %lt3A_108 = arith.cmpi slt, %add3A_107, %lt3A : i32
      %convert_element_type3A = arith.extui %lt3A_108 : i1 to i32
      %cond3A = arith.constant 0 : i32
      %cond3A_109 = arith.cmpi ne, %convert_element_type3A, %cond3A : i32
      scf.if %cond3A_109 {
        %add3A_110 = arith.constant 4 : i32
        %add3A_111 = arith.addi %scan3A_58, %add3A_110 : i32
        %rem3A_112 = arith.constant 4 : i32
        %rem3A_113 = arith.remsi %add3A_111, %rem3A_112 : i32
        %dma_start3A_114 = tpu.memref_slice %arg7[%rem3A_113] : memref<4x!tpu.dma_semaphore, #tpu.memory_space<semaphore_mem>> -> memref<1x!tpu.dma_semaphore, #tpu.memory_space<semaphore_mem>>
        %dma_start3A_115 = tpu.memref_squeeze %dma_start3A_114 : memref<1x!tpu.dma_semaphore, #tpu.memory_space<semaphore_mem>> -> memref<!tpu.dma_semaphore, #tpu.memory_space<semaphore_mem>>
        %dma_start3A_116 = arith.constant 0 : i32
        %dma_start3A_117 = arith.constant 0 : i32
        %dma_start3A_118 = tpu.memref_slice %arg6[%rem3A_113, %dma_start3A_116, %dma_start3A_117] : memref<4x768x768xf32, #tpu.memory_space<vmem>> -> memref<1x768x768xf32, #tpu.memory_space<vmem>>
        %dma_start3A_119 = tpu.memref_squeeze %dma_start3A_118 : memref<1x768x768xf32, #tpu.memory_space<vmem>> -> memref<768x768xf32, #tpu.memory_space<vmem>>
        %dma_start3A_120 = arith.constant 0 : i32
        %dma_start3A_121 = arith.constant 0 : i32
        %dma_start3A_122 = tpu.memref_slice %arg3[%add3A_111, %dma_start3A_120, %dma_start3A_121] : memref<64x768x768xf32, #tpu.memory_space<hbm>> -> memref<1x768x768xf32, #tpu.memory_space<hbm>>
        %dma_start3A_123 = tpu.memref_squeeze %dma_start3A_122 : memref<1x768x768xf32, #tpu.memory_space<hbm>> -> memref<768x768xf32, #tpu.memory_space<hbm>>
        tpu.enqueue_dma source(%dma_start3A_123 : memref<768x768xf32, #tpu.memory_space<hbm>>) target(%dma_start3A_119 : memref<768x768xf32, #tpu.memory_space<vmem>>) target_semaphore(%dma_start3A_115 : memref<!tpu.dma_semaphore, #tpu.memory_space<semaphore_mem>>)
      } else {
      }
    }
    %scan3A_57 = arith.constant 64 : i32
    return
  }
  func.func @transform_0(%arg0: i32, %arg1: memref<256xi32, #tpu.memory_space<smem>>) -> (i32, i32) {
    %c0_i32 = arith.constant 0 : i32
    %c0_i32_0 = arith.constant 0 : i32
    %c0_i32_1 = arith.constant 0 : i32
    return %c0_i32, %c0_i32_0 : i32, i32
  }
  func.func @transform_2(%arg0: i32, %arg1: memref<256xi32, #tpu.memory_space<smem>>) -> (i32, i32) {
    %c0_i32 = arith.constant 0 : i32
    %c0_i32_0 = arith.constant 0 : i32
    %c0_i32_1 = arith.constant 0 : i32
    return %c0_i32, %c0_i32_0 : i32, i32
  }
  func.func @transform_3(%arg0: i32, %arg1: memref<256xi32, #tpu.memory_space<smem>>) -> (i32, i32) {
    %c0_i32 = arith.constant 0 : i32
    %c0_i32_0 = arith.constant 0 : i32
    %c0_i32_1 = arith.constant 0 : i32
    return %c0_i32, %c0_i32_0 : i32, i32
  }
}

</mosaic_0001>

<sc_bundles>
// kernel: kernel.6.cloned.1.call-start
scs
__scs_entry_jumppad:
0x0: {  	(pc) =	sbr.rel $0x88, $3  }
0x1: {  	(tag) =	ssettag $0x0;
	lr =	simm.s32 $0x1  }
0x2: {  	[smem:$0x3F9D] =	sst lr;
	_ =	strace $0xD0000000  }
0x3: {  	_ = 	snop  }
0x4: {  	_ = 	snop  }
0x5: {  	_ = 	snop  }
0x6: {  	_ = 	snop  }
0x7: {  	_ = 	snop  }
__scs_overlays_trampoline_lowered:
0x8: {  	[smem:$0x3FAC] =	sst s0  }
0x9: {  	[smem:$0x3FAD] =	sst s1  }
0xa: {  	[smem:$0x3FAE] =	sst s2  }
0xb: {  	[smem:$0x3FAF] =	sst s3  }
0xc: {  	[smem:$0x3FB0] =	sst s4  }
0xd: {  	[smem:$0x3FB1] =	sst s5  }
0xe: {  	[smem:$0x3FB2] =	sst s6  }
0xf: {  	[smem:$0x3FB3] =	sst s7  }
0x10: {  	[smem:$0x3FB4] =	sst s8  }
0x11: {  	[smem:$0x3FB5] =	sst s9;
	s0 =	simm.s32 @!p0 $0x0  }
0x12: {  	s1 =	sld [smem:$0x3F9B];
	s0 =	simm.s32 @p0 $0x1  }
0x13: {  	[smem:$0x3FB6] =	sst s0;
	s0 =	simm.s32 @!p1 $0x0  }
0x14: {  	s2 =	sld [smem:$0x3F9A];
	s0 =	simm.s32 @p1 $0x1  }
0x15: {  	[smem:$0x3FB7] =	sst s0;
	s0 =	simm.s32 @!p2 $0x0  }
0x16: {  	s3 =	sld [smem:$0x3FDB];
	s0 =	simm.s32 @p2 $0x1  }
0x17: {  	s4 =	simm.s32 $0x1BF5;
	[smem:$0x3FB9] =	sst s0  }
0x18: {  	s0 =	sld [smem:$0x3F9C];
	_ =	swait.ge [sflag:s4], $0x0  }
0x19: {  	s7 =	sld [smem:$0x3F9D]  }
0x1a: {  	s8 =	sadd.s32 $0xFFFFE003, lr  }
0x1b: {  	s9 =	sadd.s32 $0xFFFFFEF7, lr;
	s5 =	simm.s32 $0xFFFFFFFF;
	p2 =	slt.u32 s8, $0xFFFFF086  }
0x1c: {  	p1 =	slt.u32 s9, $0xF7A;
	s5 =	simm.s32 @!p2 $0x0  }
0x1d: {  	s5 =	simm.s32 @p1 $0x1;
	p0 =	seq.s32 s7, s2  }
0x1e: {  	s7 =	smul.u32 @!p0 $0xF7A, s2;
	p2 =	seq.s32 @!p0 s5, $0x0  }
0x1f: {  	s9 =	smul.u32 $0xF7A, s1;
	s8 =	simm.s32 @!p0 $0x1BF5;
	p2 =	por !p2, p0  }
0x20: {  	[sflag:s8] =	ssyncset.s32 @!p0 $0xFFFFF086;
	s6 =	sadd.s32 @!p0 s3, s7;
	s7 =	simm.s32 @!p0 $0x108  }
0x21: {  	s3 =	sadd.s32 s3, s9;
	s6 =	sadd.s32 @!p0 $0x88, s6;
	s7 =	simm.s32 @p2 $0x1082  }
0x22: {  	[simem:s7], [sflag:s8] =	dma.local @!p0 [hbm:s6], $0xF7A  }
0x23: {  	s9 =	sor.u32 $0xD0000000, s2;
	s6 =	simm.s32 $0x108;
	_ =	swait.ge @!p0 [sflag:s8], $0x0  }
0x24: {  	s3 =	sadd.s32 $0x88, s3;
	s6 =	simm.s32 @!p1 $0x1082;
	[sflag:s4] =	ssyncset.s32 $0xFFFFF086  }
0x25: {  	[simem:s6], [sflag:s4] =	dma.local [hbm:s3], $0xF7A  }
0x26: {  	[smem:$0x3F9D] =	sst s1;
	(tag) =	ssettag s2;
	_ =	strace s9  }
0x27: {  	s1 =	sld [smem:$0x3FAD]  }
0x28: {  	s2 =	sld [smem:$0x3FAE]  }
0x29: {  	s4 =	sld [smem:$0x3FB0]  }
0x2a: {  	p0 =	seq.s32 s5, $0x0;
	s5 =	sld [smem:$0x3FB1]  }
0x2b: {  	s6 =	sld [smem:$0x3FB2]  }
0x2c: {  	s7 =	sld [smem:$0x3FB3]  }
0x2d: {  	s3 =	simm.s32 $0x108;
	s8 =	sld [smem:$0x3FB4]  }
0x2e: {  	s3 =	simm.s32 @!p0 $0x1082;
	s9 =	sld [smem:$0x3FB5]  }
0x2f: {  	lr =	sadd.s32 s0, s3;
	s0 =	sld [smem:$0x3FAC]  }
0x30: {  	s3 =	sld [smem:$0x3FAF]  }
0x31: {  	[smem:$0x3FB8] =	sst s10  }
0x32: {  	s10 =	sld [smem:$0x3FB6];
	_ =	sdelay $0x3  }
0x33: {  	p0 =	seq.s32 s10, $0x1;
	s10 =	sld [smem:$0x3FB8];
	_ =	sdelay $0x3  }
0x34: {  	[smem:$0x3FB8] =	sst s10  }
0x35: {  	s10 =	sld [smem:$0x3FB7];
	_ =	sdelay $0x3  }
0x36: {  	p1 =	seq.s32 s10, $0x1;
	s10 =	sld [smem:$0x3FB8];
	_ =	sdelay $0x3  }
0x37: {  	[smem:$0x3FB8] =	sst s10  }
0x38: {  	s10 =	sld [smem:$0x3FB9]  }
0x39: {  	_ = 	snop;
	(pc) =	sbr.ind lr, $3  }
0x3a: {  	_ = 	snop  }
0x3b: {  	_ = 	snop  }
0x3c: {  	p2 =	seq.s32 s10, $0x1;
	s10 =	sld [smem:$0x3FB8]  }
0x3d: {  	_ =	shalt  }
0x3e: {  	_ =	shalt  }
0x3f: {  	_ =	shalt  }
0x40: {  	_ =	shalt  }
0x41: {  	_ =	shalt  }
0x42: {  	_ =	shalt  }
0x43: {  	_ =	shalt  }
0x44: {  	_ =	shalt  }
0x45: {  	_ =	shalt  }
0x46: {  	_ =	shalt  }
0x47: {  	_ =	shalt  }
0x48: {  	_ =	shalt  }
0x49: {  	_ =	shalt  }
0x4a: {  	_ =	shalt  }
0x4b: {  	_ =	shalt  }
0x4c: {  	_ =	shalt  }
0x4d: {  	_ =	shalt  }
0x4e: {  	_ =	shalt  }
0x4f: {  	_ =	shalt  }
0x50: {  	_ =	shalt  }
0x51: {  	_ =	shalt  }
0x52: {  	_ =	shalt  }
0x53: {  	_ =	shalt  }
0x54: {  	_ =	shalt  }
0x55: {  	_ =	shalt  }
0x56: {  	_ =	shalt  }
0x57: {  	_ =	shalt  }
0x58: {  	_ =	shalt  }
0x59: {  	_ =	shalt  }
0x5a: {  	_ =	shalt  }
0x5b: {  	_ =	shalt  }
0x5c: {  	_ =	shalt  }
0x5d: {  	_ =	shalt  }
0x5e: {  	_ =	shalt  }
0x5f: {  	_ =	shalt  }
0x60: {  	_ =	shalt  }
0x61: {  	_ =	shalt  }
0x62: {  	_ =	shalt  }
0x63: {  	_ =	shalt  }
0x64: {  	_ =	shalt  }
0x65: {  	_ =	shalt  }
0x66: {  	_ =	shalt  }
0x67: {  	_ =	shalt  }
0x68: {  	_ =	shalt  }
0x69: {  	_ =	shalt  }
0x6a: {  	_ =	shalt  }
0x6b: {  	_ =	shalt  }
0x6c: {  	_ =	shalt  }
0x6d: {  	_ =	shalt  }
0x6e: {  	_ =	shalt  }
0x6f: {  	_ =	shalt  }
0x70: {  	_ =	shalt  }
0x71: {  	_ =	shalt  }
0x72: {  	_ =	shalt  }
0x73: {  	_ =	shalt  }
0x74: {  	_ =	shalt  }
0x75: {  	_ =	shalt  }
0x76: {  	_ =	shalt  }
0x77: {  	_ =	shalt  }
0x78: {  	_ =	shalt  }
0x79: {  	_ =	shalt  }
0x7a: {  	_ =	shalt  }
0x7b: {  	_ =	shalt  }
0x7c: {  	_ =	shalt  }
0x7d: {  	_ =	shalt  }
0x7e: {  	_ =	shalt  }
0x7f: {  	_ =	shalt  }
0x80: {  	_ =	shalt  }
0x81: {  	_ =	shalt  }
0x82: {  	_ =	shalt  }
0x83: {  	_ =	shalt  }
0x84: {  	_ =	shalt  }
0x85: {  	_ =	shalt  }
0x86: {  	_ =	shalt  }
0x87: {  	_ =	shalt  }
.Lfunc_end0:
.L_simem_size_0:
called_computation_lowered:
.L_overlay_start_0:
0x88: {  	s2 =	sld [smem:$0x3FD9]  }
0x89: {  	s3 =	sld [smem:$0x3FFE];
	_ =	sdelay $0x1  }
0x8a: {  	s1 =	srdreg.scid  }
0x8b: {  	s0 =	sand.u32 $0x1, s1  }
0x8c: {  	s17 =	sshll.u32 s0, $0xA;
	s2 =	sadd.s32 s3, s2  }
0x8d: {  	s2 =	sadd.s32 s2, s17  }
0x8e: {  	[smem:$0x3FC4] =	sst s2  }
0x8f: {  	_ = 	snop  }
0x90: {  	s2 =	sld [smem:$0x3FC9];
	(tm) =	ssettm $0x1  }
0x91: {  	s18 =	sld [smem:$0x3FFB];
	_ =	sdelay $0x3  }
0x92: {  	_ =	strace s18  }
0x93: {  	s3 =	sld [smem:$0x3FFC];
	_ =	sdelay $0x3  }
0x94: {  	_ =	strace s3  }
0x95: {  	s3 =	sld [smem:$0x3FFD];
	_ =	sdelay $0x3  }
0x96: {  	_ =	strace s3  }
0x97: {  	_ =	strace $0x8FFFFFFF  }
0x98: {  	s19 =	sld [smem:$0x3FDB];
	_ =	sdelay $0x1  }
0x99: {  	s4 =	simm.s32 $_scs_section_size  }
0x9a: {  	s5 =	simm.s32 $_size__tile_overlayer_lowered;
	s6 =	simm.s32 $_tile_overlayer_lowered  }
0x9b: {  	s22 =	simm.s32 $0x1BFF;
	s21 =	sshll.u32 s6, $0x1;
	s3 =	sadd.s32 s4, s19  }
0x9c: {  	s7 =	simm.s32 $0x0;
	s20 =	sshll.u32 s5, $0x1;
	s5 =	sadd.s32 s21, s3  }
0x9d: {  	[timem:s7], [sflag:s22] =	dma.local [hbm:s5], s20  }
0x9e: {  	_ =	swait.ge [sflag:s22], s20  }
0x9f: {  	s4 =	ssub.s32 $0x0, s20;
	[sflag:s22] =	ssyncset.done $0x0  }
0xa0: {  	[sflag:s22] =	ssyncadd.s32 s4;
	_ =	sdelay $0x1  }
0xa1: {  	s23 =	simm.s32 $0x1B8B  }
0xa2: {  	_ =	swait.ge [sflag:s23], $0x1  }
0xa3: {  	[sflag:s23] =	ssyncset.done $0x0  }
0xa4: {  	s25 =	simm.s32 $0x1B8E;
	s24 =	sld [smem:$0x3FFE];
	[sflag:s23] =	ssyncadd.s32 $0xFFFFFFFF  }
0xa5: {  	s26 =	simm.s32 $execute0_lowered;
	[smem:$0x3FD2] =	sst s25  }
0xa6: {  	s5 =	sshll.u32 s26, $0x1;
	_ =	strace $0x80000046;
	[dreg:$0x1] =	wrdreg $0xFFFFFFFF  }
0xa7: {  	s28 =	simm.s32 $_size_execute0_lowered;
	s3 =	sadd.s32 s3, s5;
	[dreg:$0x0] =	wrdreg $0x0  }
0xa8: {  	s5 =	sshll.u32 s28, $0x1;
	[dreg:$0x2] =	wrdreg s3  }
0xa9: {  	[dreg:$0x3] =	wrdreg s5  }
0xaa: {  	[dreg:$0x4] =	wrdreg $0xC0  }
0xab: {  	_ =	task [dreg:s7], $0x5FFFF  }
0xac: {  	[dreg:$0x1] =	wrdreg $0xFFFFFFFF  }
0xad: {  	[dreg:$0x0] =	wrdreg $0x60  }
0xae: {  	[dreg:$0x2] =	wrdreg s2  }
0xaf: {  	[dreg:$0x3] =	wrdreg s24  }
0xb0: {  	[dreg:$0x4] =	wrdreg $0x9  }
0xb1: {  	_ =	task.clear_ibuf [dreg:s7], $0x5FFFF;
	_ =	strace $0x90000046  }
0xb2: {  	s29 =	simm.s32 $0x9;
	_ =	strace $0x80000048  }
0xb3: {  	_ =	swait.ge [sflag:s29], $0x1  }
0xb4: {  	[sflag:s29] =	ssyncadd.s32 $0xFFFFFFFF  }
0xb5: {  	_ =	strace $0x90000048  }
0xb6: {  	_ =	sfence  }
0xb7: {  	s30 =	sld [smem:$0x0];
	_ =	sdelay $0x2  }
0xb8: {  	s31 =	sshll.u32 s1, $0xD;
	s1 =	sshrl.u32 s1, $0x2  }
0xb9: {  	s3 =	sand.u32 $0x4000, s31;
	s1 =	sadd.s32 s1, s30  }
0xba: {  	s0 =	sor.u32 s3, s0;
	s1 =	sshll.u32 s1, $0x11  }
0xbb: {  	s0 =	sor.u32 s1, s0  }
0xbc: {  	s0 =	sadd.s32 $0x8F2B, s0  }
0xbd: {  	[sflag:s0] =	ssyncadd.remote.s32 $0x1  }
0xbe: {  	_ =	sfence.sel $0xFFFF  }
0xbf: {  	[dreg:$0x0] =	wrdreg $0xFFFFFFFF;
	(pc) =	sbr.abs _section_cstart, $3  }
0xc0: {  	[dreg:$0x1] =	wrdreg $0xFFFFFFFF  }
0xc1: {  	_ =	task.clear_ibuf [dreg:s7], $0x2FFFF;
	_ =	strace $0x9FFFFFFF  }
0xc2: {  	(tm) =	ssettm $0x7FFFFFFF  }
0xc3: {  	_ =	shalt  }
tec
execute0_lowered:
.L_overlay_start_1:
0x0: {  	(tag) =	ssettag $0x1  }
0x1: {  	s1 =	srdreg.scid  }
0x2: {  	s0 =	stileid.u32;
	s3 =	rddreg [dreg:$0x0]  }
0x3: {  	s5 =	rddreg [dreg:$0x1];
	s8 =	simm.s32 $0x80;
	s26 =	simm.s32 $0x880  }
0x4: {  	s9 =	simm.s32 $0x1080;
	s10 =	simm.s32 $0x1880;
	s11 =	simm.s32 $0x2080  }
0x5: {  	s12 =	simm.s32 $0x2880;
	s13 =	simm.s32 $0x3080;
	s14 =	simm.s32 $0x3880  }
0x6: {  	s15 =	simm.s32 $0x4080;
	s16 =	simm.s32 $0x4880;
	s17 =	simm.s32 $0x5080  }
0x7: {  	s18 =	simm.s32 $0x5880;
	s19 =	simm.s32 $0x6080;
	s20 =	simm.s32 $0x6880  }
0x8: {  	s21 =	simm.s32 $0x7080;
	s22 =	simm.s32 $0x7880;
	s23 =	simm.s32 $0x8080  }
0x9: {  	s24 =	simm.s32 $0x8880;
	s25 =	simm.s32 $0x9080;
	s28 =	simm.s32 $0xA080  }
0xa: {  	s29 =	simm.s32 $0xA880;
	s1 =	sand.u32 $0x1, s1;
	s2 =	sshll.u32 s0, $0x1  }
0xb: {  	s30 =	simm.s32 $0xB080;
	s31 =	simm.s32 $0xB880;
	s4 =	sor.u32 s1, s2  }
0xc: {  	s2 =	simm.s32 $0x0;
	s1 =	ssub.s32 $0x2, s1;
	s6 =	sshll.u32 s4, $0x4  }
0xd: {  	[smem:$0x7FF] =	sst s2;
	s4 =	smul.u32 $0x1800, s4;
	s7 =	sshrl.u32 s1, $0x1  }
0xe: {  	s6 =	sadd.s32 s6, s5;
	_ =	strace $0x80000047;
	s1 =	ssub.s32 s1, s7  }
0xf: {  	s7 =	simm.s32 $0x2;
	[dreg:$0x5] =	wrdreg s26;
	s6 =	sadd.s32 $0x600, s6  }
0x10: {  	v2 =	vlaneseq.u32;
	s26 =	simm.s32 $0x9880;
	s4 =	sadd.s32 s3, s4;
	[dreg:$0x3] =	wrdreg s6  }
0x11: {  	vm0 =	vmmov $0xffff;
	v1 =	vshrl.u32 v2, $0x3;
	s3 =	sadd.s32 $0x800, s5;
	[dreg:$0x4] =	wrdreg s4;
	s4 =	sadd.s32 $0x900, s5  }
0x12: {  	v0 =	vand.u32 $0x7, v2;
	v2 =	vor.u32 $0x8, v2;
	v1 =	vmul.u32 $0x8, v1;
	s5 =	sadd.s32 $0xA00, s5;
	s6 =	smax.u32 s1, $0x1;
	s1 =	simm.s32 $0x1  }
.LBB2_1:
0x13: {  	s0 =	rddreg [dreg:$0x3]  }
0x14: {  	[tilespmem:s2], [sflag:$0x2] =	stream.linear.gather [hbm4b:s0+s2], $0x80, $0x38;
	[tilespmem:$0xC080] =	vst v63  }
0x15: {  	_ =	swait.ge [sflag:s7], $0x80  }
0x16: {  	[sflag:s7] =	ssyncset.done $0x0  }
0x17: {  	s0 =	rddreg [dreg:$0x4];
	[sflag:s7] =	ssyncadd.s32 $0xFFFFFF80  }
0x18: {  	[tilespmem:s8], [sflag:$0x2] =	stream.linear.gather [hbm4b:s0+s2], $0xC000, $0x38;
	[tilespmem:$0xC080] =	vst v63  }
0x19: {  	_ =	swait.ge [sflag:s7], $0xC000  }
0x1a: {  	[sflag:s7] =	ssyncset.done $0x0  }
0x1b: {  	[sflag:s7] =	ssyncadd.s32 $0xFFFF4000  }
0x1c: {  	v3 =	vld [tilespmem:$0x0];
	_ =	sdelay $0x4  }
0x1d: {  	v4 =	vshrl.u32 v3, $0x3  }
0x1e: {  	v4 =	vmul.u32 $0x30, v4  }
0x1f: {  	v3 =	vand.u32 $0x7, v3  }
0x20: {  	v3 =	vor.u32 v3, v4  }
0x21: {  	v4 =	vperm.xlane v3, v0;
	_ =	sdelay $0x1  }
0x22: {  	v4 =	vadd.s32 v1, v4;
	_ =	sdelay $0x3  }
0x23: {  	v3 =	vperm.xlane v3, v2  }
0x24: {  	[hbm4b:s3+s2] =	stream.indirect_vreg.scatter [tilespmem:s8], [sflag:$0x1], $0x80, v4, vm0, $0xb8;
	[tilespmem:$0xC080] =	vst v63  }
0x25: {  	s0 =	rddreg [dreg:$0x5];
	v3 =	vadd.s32 v1, v3  }
0x26: {  	[hbm4b:s4+s2] =	stream.indirect_vreg.scatter [tilespmem:s0], [sflag:$0x1], $0x80, v4, vm0, $0xb8;
	[tilespmem:$0xC080] =	vst v63  }
0x27: {  	_ = 	snop  }
0x28: {  	[hbm4b:s5+s2] =	stream.indirect_vreg.scatter [tilespmem:s9], [sflag:$0x1], $0x80, v4, vm0, $0xb8;
	[tilespmem:$0xC080] =	vst v63  }
0x29: {  	_ = 	snop  }
0x2a: {  	[hbm4b:s3+s2] =	stream.indirect_vreg.scatter [tilespmem:s10], [sflag:$0x1], $0x80, v3, vm0, $0xb8;
	[tilespmem:$0xC080] =	vst v63  }
0x2b: {  	_ = 	snop  }
0x2c: {  	[hbm4b:s4+s2] =	stream.indirect_vreg.scatter [tilespmem:s11], [sflag:$0x1], $0x80, v3, vm0, $0xb8;
	[tilespmem:$0xC080] =	vst v63  }
0x2d: {  	_ = 	snop  }
0x2e: {  	[hbm4b:s5+s2] =	stream.indirect_vreg.scatter [tilespmem:s12], [sflag:$0x1], $0x80, v3, vm0, $0xb8;
	[tilespmem:$0xC080] =	vst v63  }
0x2f: {  	v3 =	vld [tilespmem:$0x10];
	_ =	sdelay $0x4  }
0x30: {  	v61 =	vshrl.u32 v3, $0x3  }
0x31: {  	v4 =	vmul.u32 $0x30, v61  }
0x32: {  	v3 =	vand.u32 $0x7, v3  }
0x33: {  	v3 =	vor.u32 v3, v4  }
0x34: {  	v4 =	vperm.xlane v3, v0;
	_ =	sdelay $0x1  }
0x35: {  	v4 =	vadd.s32 v1, v4;
	_ =	sdelay $0x3  }
0x36: {  	v3 =	vperm.xlane v3, v2  }
0x37: {  	[hbm4b:s3+s2] =	stream.indirect_vreg.scatter [tilespmem:s13], [sflag:$0x1], $0x80, v4, vm0, $0xb8;
	[tilespmem:$0xC080] =	vst v63  }
0x38: {  	v3 =	vadd.s32 v1, v3  }
0x39: {  	[hbm4b:s4+s2] =	stream.indirect_vreg.scatter [tilespmem:s14], [sflag:$0x1], $0x80, v4, vm0, $0xb8;
	[tilespmem:$0xC080] =	vst v63  }
0x3a: {  	_ = 	snop  }
0x3b: {  	[hbm4b:s5+s2] =	stream.indirect_vreg.scatter [tilespmem:s15], [sflag:$0x1], $0x80, v4, vm0, $0xb8;
	[tilespmem:$0xC080] =	vst v63  }
0x3c: {  	_ = 	snop  }
0x3d: {  	[hbm4b:s3+s2] =	stream.indirect_vreg.scatter [tilespmem:s16], [sflag:$0x1], $0x80, v3, vm0, $0xb8;
	[tilespmem:$0xC080] =	vst v63  }
0x3e: {  	_ = 	snop  }
0x3f: {  	[hbm4b:s4+s2] =	stream.indirect_vreg.scatter [tilespmem:s17], [sflag:$0x1], $0x80, v3, vm0, $0xb8;
	[tilespmem:$0xC080] =	vst v63  }
0x40: {  	_ = 	snop  }
0x41: {  	[hbm4b:s5+s2] =	stream.indirect_vreg.scatter [tilespmem:s18], [sflag:$0x1], $0x80, v3, vm0, $0xb8;
	[tilespmem:$0xC080] =	vst v63  }
0x42: {  	v3 =	vld [tilespmem:$0x20];
	_ =	sdelay $0x4  }
0x43: {  	v62 =	vshrl.u32 v3, $0x3  }
0x44: {  	v4 =	vmul.u32 $0x30, v62  }
0x45: {  	v3 =	vand.u32 $0x7, v3  }
0x46: {  	v3 =	vor.u32 v3, v4  }
0x47: {  	v4 =	vperm.xlane v3, v0;
	_ =	sdelay $0x1  }
0x48: {  	v4 =	vadd.s32 v1, v4;
	_ =	sdelay $0x3  }
0x49: {  	v3 =	vperm.xlane v3, v2  }
0x4a: {  	[hbm4b:s3+s2] =	stream.indirect_vreg.scatter [tilespmem:s19], [sflag:$0x1], $0x80, v4, vm0, $0xb8;
	[tilespmem:$0xC080] =	vst v63  }
0x4b: {  	v3 =	vadd.s32 v1, v3  }
0x4c: {  	[hbm4b:s4+s2] =	stream.indirect_vreg.scatter [tilespmem:s20], [sflag:$0x1], $0x80, v4, vm0, $0xb8;
	[tilespmem:$0xC080] =	vst v63  }
0x4d: {  	_ = 	snop  }
0x4e: {  	[hbm4b:s5+s2] =	stream.indirect_vreg.scatter [tilespmem:s21], [sflag:$0x1], $0x80, v4, vm0, $0xb8;
	[tilespmem:$0xC080] =	vst v63  }
0x4f: {  	_ = 	snop  }
0x50: {  	[hbm4b:s3+s2] =	stream.indirect_vreg.scatter [tilespmem:s22], [sflag:$0x1], $0x80, v3, vm0, $0xb8;
	[tilespmem:$0xC080] =	vst v63  }
0x51: {  	_ = 	snop  }
0x52: {  	[hbm4b:s4+s2] =	stream.indirect_vreg.scatter [tilespmem:s23], [sflag:$0x1], $0x80, v3, vm0, $0xb8;
	[tilespmem:$0xC080] =	vst v63  }
0x53: {  	_ = 	snop  }
0x54: {  	[hbm4b:s5+s2] =	stream.indirect_vreg.scatter [tilespmem:s24], [sflag:$0x1], $0x80, v3, vm0, $0xb8;
	[tilespmem:$0xC080] =	vst v63  }
0x55: {  	v3 =	vld [tilespmem:$0x30];
	_ =	sdelay $0x4  }
0x56: {  	v63 =	vshrl.u32 v3, $0x3  }
0x57: {  	v4 =	vmul.u32 $0x30, v63  }
0x58: {  	v3 =	vand.u32 $0x7, v3  }
0x59: {  	v3 =	vor.u32 v3, v4  }
0x5a: {  	v4 =	vperm.xlane v3, v0;
	_ =	sdelay $0x1  }
0x5b: {  	v4 =	vadd.s32 v1, v4;
	_ =	sdelay $0x3  }
0x5c: {  	v3 =	vperm.xlane v3, v2  }
0x5d: {  	[hbm4b:s3+s2] =	stream.indirect_vreg.scatter [tilespmem:s25], [sflag:$0x1], $0x80, v4, vm0, $0xb8;
	[tilespmem:$0xC080] =	vst v63  }
0x5e: {  	v3 =	vadd.s32 v1, v3  }
0x5f: {  	[hbm4b:s4+s2] =	stream.indirect_vreg.scatter [tilespmem:s26], [sflag:$0x1], $0x80, v4, vm0, $0xb8;
	[tilespmem:$0xC080] =	vst v63  }
0x60: {  	_ = 	snop  }
0x61: {  	[hbm4b:s5+s2] =	stream.indirect_vreg.scatter [tilespmem:s28], [sflag:$0x1], $0x80, v4, vm0, $0xb8;
	[tilespmem:$0xC080] =	vst v63  }
0x62: {  	_ = 	snop  }
0x63: {  	[hbm4b:s3+s2] =	stream.indirect_vreg.scatter [tilespmem:s29], [sflag:$0x1], $0x80, v3, vm0, $0xb8;
	[tilespmem:$0xC080] =	vst v63  }
0x64: {  	p0 =	sne.s32 s6, $0x1  }
0x65: {  	[hbm4b:s4+s2] =	stream.indirect_vreg.scatter [tilespmem:s30], [sflag:$0x1], $0x80, v3, vm0, $0xb8;
	[tilespmem:$0xC080] =	vst v63  }
.Ltmp0:
0x66: {  	_ = 	snop;
	(pc) =	sbr.rel @p0 .LBB2_1-.Ltmp0, $4  }
0x67: {  	[hbm4b:s5+s2] =	stream.indirect_vreg.scatter [tilespmem:s31], [sflag:$0x1], $0x80, v3, vm0, $0xb8;
	[tilespmem:$0xC080] =	vst v63  }
0x68: {  	_ =	swait.ge [sflag:s1], $0xC000  }
0x69: {  	[sflag:s1] =	ssyncset.done $0x0  }
0x6a: {  	s6 =	sadd.s32 $0xFFFFFFFF, s6;
	[sflag:s1] =	ssyncadd.s32 $0xFFFF4000  }
0x6b: {  	_ =	sfence.sel $0x180000  }
0x6c: {  	[bflag:$0x0] =	sbarrier.arrive $0xFFFF  }
0x6d: {  	_ =	strace $0x90000047  }
0x6e: {  	s0 =	stileid.u32;
	[bflag:$0x2] =	sbarrier.arrive $0xFFFF  }
0x6f: {  	p0 =	sne.s32 s0, $0x0;
	s0 =	rddreg [dreg:$0x2]  }
0x70: {  	s0 =	sadd.s32 @!p0 $0x100000, s0  }
0x71: {  	[sflag:s0] =	ssyncadd.tile.s32 @!p0 $0x1;
	_ =	shalt  }
.Lfunc_end2:
_tile_overlayer_lowered:
.L_overlay_start_2:
0x72: {  	(tag) =	ssettag $0x2  }
0x73: {  	s0 =	rddreg [dreg:$0x0];
	s2 =	stileid.u32  }
0x74: {  	s1 =	rddreg [dreg:$0x1];
	p0 =	sne.s32 s2, $0x0  }
0x75: {  	s3 =	rddreg [dreg:$0x2];
	[bflag:$0x3] =	sbarrier.arrive $0xFFFF;
	s2 =	simm.s32 @!p0 $0x1C02  }
0x76: {  	[timem:s3], [sflag:s2] =	dma.local @!p0 [hbm:s0], s1  }
0x77: {  	s0 =	simm.s32 @!p0 $0x2  }
0x78: {  	_ =	swait.ge @!p0 [sflag:s0], s1  }
0x79: {  	s1 =	ssub.s32 @!p0 $0x0, s1;
	[sflag:s0] =	ssyncset.done @!p0 $0x0  }
0x7a: {  	[sflag:s0] =	ssyncadd.s32 @!p0 s1  }
0x7b: {  	[bflag:$0x3] =	sbarrier.arrive $0xFFFF  }
0x7c: {  	_ =	shalt  }

// kernel: kernel.9.cloned.1.call-start
scs
__scs_entry_jumppad:
0x0: {  	(pc) =	sbr.rel $0x88, $3  }
0x1: {  	(tag) =	ssettag $0x0;
	lr =	simm.s32 $0x1  }
0x2: {  	[smem:$0x3F9D] =	sst lr;
	_ =	strace $0xD0000000  }
0x3: {  	_ = 	snop  }
0x4: {  	_ = 	snop  }
0x5: {  	_ = 	snop  }
0x6: {  	_ = 	snop  }
0x7: {  	_ = 	snop  }
__scs_overlays_trampoline_lowered:
0x8: {  	[smem:$0x3FAC] =	sst s0  }
0x9: {  	[smem:$0x3FAD] =	sst s1  }
0xa: {  	[smem:$0x3FAE] =	sst s2  }
0xb: {  	[smem:$0x3FAF] =	sst s3  }
0xc: {  	[smem:$0x3FB0] =	sst s4  }
0xd: {  	[smem:$0x3FB1] =	sst s5  }
0xe: {  	[smem:$0x3FB2] =	sst s6  }
0xf: {  	[smem:$0x3FB3] =	sst s7  }
0x10: {  	[smem:$0x3FB4] =	sst s8  }
0x11: {  	[smem:$0x3FB5] =	sst s9;
	s0 =	simm.s32 @!p0 $0x0  }
0x12: {  	s1 =	sld [smem:$0x3F9B];
	s0 =	simm.s32 @p0 $0x1  }
0x13: {  	[smem:$0x3FB6] =	sst s0;
	s0 =	simm.s32 @!p1 $0x0  }
0x14: {  	s2 =	sld [smem:$0x3F9A];
	s0 =	simm.s32 @p1 $0x1  }
0x15: {  	[smem:$0x3FB7] =	sst s0;
	s0 =	simm.s32 @!p2 $0x0  }
0x16: {  	s3 =	sld [smem:$0x3FDB];
	s0 =	simm.s32 @p2 $0x1  }
0x17: {  	s4 =	simm.s32 $0x1BF5;
	[smem:$0x3FB9] =	sst s0  }
0x18: {  	s0 =	sld [smem:$0x3F9C];
	_ =	swait.ge [sflag:s4], $0x0  }
0x19: {  	s7 =	sld [smem:$0x3F9D]  }
0x1a: {  	s8 =	sadd.s32 $0xFFFFE003, lr  }
0x1b: {  	s9 =	sadd.s32 $0xFFFFFEF7, lr;
	s5 =	simm.s32 $0xFFFFFFFF;
	p2 =	slt.u32 s8, $0xFFFFF086  }
0x1c: {  	p1 =	slt.u32 s9, $0xF7A;
	s5 =	simm.s32 @!p2 $0x0  }
0x1d: {  	s5 =	simm.s32 @p1 $0x1;
	p0 =	seq.s32 s7, s2  }
0x1e: {  	s7 =	smul.u32 @!p0 $0xF7A, s2;
	p2 =	seq.s32 @!p0 s5, $0x0  }
0x1f: {  	s9 =	smul.u32 $0xF7A, s1;
	s8 =	simm.s32 @!p0 $0x1BF5;
	p2 =	por !p2, p0  }
0x20: {  	[sflag:s8] =	ssyncset.s32 @!p0 $0xFFFFF086;
	s6 =	sadd.s32 @!p0 s3, s7;
	s7 =	simm.s32 @!p0 $0x108  }
0x21: {  	s3 =	sadd.s32 s3, s9;
	s6 =	sadd.s32 @!p0 $0x88, s6;
	s7 =	simm.s32 @p2 $0x1082  }
0x22: {  	[simem:s7], [sflag:s8] =	dma.local @!p0 [hbm:s6], $0xF7A  }
0x23: {  	s9 =	sor.u32 $0xD0000000, s2;
	s6 =	simm.s32 $0x108;
	_ =	swait.ge @!p0 [sflag:s8], $0x0  }
0x24: {  	s3 =	sadd.s32 $0x88, s3;
	s6 =	simm.s32 @!p1 $0x1082;
	[sflag:s4] =	ssyncset.s32 $0xFFFFF086  }
0x25: {  	[simem:s6], [sflag:s4] =	dma.local [hbm:s3], $0xF7A  }
0x26: {  	[smem:$0x3F9D] =	sst s1;
	(tag) =	ssettag s2;
	_ =	strace s9  }
0x27: {  	s1 =	sld [smem:$0x3FAD]  }
0x28: {  	s2 =	sld [smem:$0x3FAE]  }
0x29: {  	s4 =	sld [smem:$0x3FB0]  }
0x2a: {  	p0 =	seq.s32 s5, $0x0;
	s5 =	sld [smem:$0x3FB1]  }
0x2b: {  	s6 =	sld [smem:$0x3FB2]  }
0x2c: {  	s7 =	sld [smem:$0x3FB3]  }
0x2d: {  	s3 =	simm.s32 $0x108;
	s8 =	sld [smem:$0x3FB4]  }
0x2e: {  	s3 =	simm.s32 @!p0 $0x1082;
	s9 =	sld [smem:$0x3FB5]  }
0x2f: {  	lr =	sadd.s32 s0, s3;
	s0 =	sld [smem:$0x3FAC]  }
0x30: {  	s3 =	sld [smem:$0x3FAF]  }
0x31: {  	[smem:$0x3FB8] =	sst s10  }
0x32: {  	s10 =	sld [smem:$0x3FB6];
	_ =	sdelay $0x3  }
0x33: {  	p0 =	seq.s32 s10, $0x1;
	s10 =	sld [smem:$0x3FB8];
	_ =	sdelay $0x3  }
0x34: {  	[smem:$0x3FB8] =	sst s10  }
0x35: {  	s10 =	sld [smem:$0x3FB7];
	_ =	sdelay $0x3  }
0x36: {  	p1 =	seq.s32 s10, $0x1;
	s10 =	sld [smem:$0x3FB8];
	_ =	sdelay $0x3  }
0x37: {  	[smem:$0x3FB8] =	sst s10  }
0x38: {  	s10 =	sld [smem:$0x3FB9]  }
0x39: {  	_ = 	snop;
	(pc) =	sbr.ind lr, $3  }
0x3a: {  	_ = 	snop  }
0x3b: {  	_ = 	snop  }
0x3c: {  	p2 =	seq.s32 s10, $0x1;
	s10 =	sld [smem:$0x3FB8]  }
0x3d: {  	_ =	shalt  }
0x3e: {  	_ =	shalt  }
0x3f: {  	_ =	shalt  }
0x40: {  	_ =	shalt  }
0x41: {  	_ =	shalt  }
0x42: {  	_ =	shalt  }
0x43: {  	_ =	shalt  }
0x44: {  	_ =	shalt  }
0x45: {  	_ =	shalt  }
0x46: {  	_ =	shalt  }
0x47: {  	_ =	shalt  }
0x48: {  	_ =	shalt  }
0x49: {  	_ =	shalt  }
0x4a: {  	_ =	shalt  }
0x4b: {  	_ =	shalt  }
0x4c: {  	_ =	shalt  }
0x4d: {  	_ =	shalt  }
0x4e: {  	_ =	shalt  }
0x4f: {  	_ =	shalt  }
0x50: {  	_ =	shalt  }
0x51: {  	_ =	shalt  }
0x52: {  	_ =	shalt  }
0x53: {  	_ =	shalt  }
0x54: {  	_ =	shalt  }
0x55: {  	_ =	shalt  }
0x56: {  	_ =	shalt  }
0x57: {  	_ =	shalt  }
0x58: {  	_ =	shalt  }
0x59: {  	_ =	shalt  }
0x5a: {  	_ =	shalt  }
0x5b: {  	_ =	shalt  }
0x5c: {  	_ =	shalt  }
0x5d: {  	_ =	shalt  }
0x5e: {  	_ =	shalt  }
0x5f: {  	_ =	shalt  }
0x60: {  	_ =	shalt  }
0x61: {  	_ =	shalt  }
0x62: {  	_ =	shalt  }
0x63: {  	_ =	shalt  }
0x64: {  	_ =	shalt  }
0x65: {  	_ =	shalt  }
0x66: {  	_ =	shalt  }
0x67: {  	_ =	shalt  }
0x68: {  	_ =	shalt  }
0x69: {  	_ =	shalt  }
0x6a: {  	_ =	shalt  }
0x6b: {  	_ =	shalt  }
0x6c: {  	_ =	shalt  }
0x6d: {  	_ =	shalt  }
0x6e: {  	_ =	shalt  }
0x6f: {  	_ =	shalt  }
0x70: {  	_ =	shalt  }
0x71: {  	_ =	shalt  }
0x72: {  	_ =	shalt  }
0x73: {  	_ =	shalt  }
0x74: {  	_ =	shalt  }
0x75: {  	_ =	shalt  }
0x76: {  	_ =	shalt  }
0x77: {  	_ =	shalt  }
0x78: {  	_ =	shalt  }
0x79: {  	_ =	shalt  }
0x7a: {  	_ =	shalt  }
0x7b: {  	_ =	shalt  }
0x7c: {  	_ =	shalt  }
0x7d: {  	_ =	shalt  }
0x7e: {  	_ =	shalt  }
0x7f: {  	_ =	shalt  }
0x80: {  	_ =	shalt  }
0x81: {  	_ =	shalt  }
0x82: {  	_ =	shalt  }
0x83: {  	_ =	shalt  }
0x84: {  	_ =	shalt  }
0x85: {  	_ =	shalt  }
0x86: {  	_ =	shalt  }
0x87: {  	_ =	shalt  }
.Lfunc_end0:
.L_simem_size_0:
called_computation.1_lowered:
.L_overlay_start_0:
0x88: {  	s2 =	sld [smem:$0x3FD9]  }
0x89: {  	s3 =	sld [smem:$0x3FFE];
	_ =	sdelay $0x1  }
0x8a: {  	s1 =	srdreg.scid  }
0x8b: {  	s0 =	sand.u32 $0x1, s1  }
0x8c: {  	s17 =	sshll.u32 s0, $0xA;
	s2 =	sadd.s32 s3, s2  }
0x8d: {  	s2 =	sadd.s32 s2, s17  }
0x8e: {  	[smem:$0x3FC4] =	sst s2  }
0x8f: {  	_ = 	snop  }
0x90: {  	s2 =	sld [smem:$0x3FD0];
	(tm) =	ssettm $0x1  }
0x91: {  	s18 =	sld [smem:$0x3FFB];
	_ =	sdelay $0x3  }
0x92: {  	_ =	strace s18  }
0x93: {  	s3 =	sld [smem:$0x3FFC];
	_ =	sdelay $0x3  }
0x94: {  	_ =	strace s3  }
0x95: {  	s3 =	sld [smem:$0x3FFD];
	_ =	sdelay $0x3  }
0x96: {  	_ =	strace s3  }
0x97: {  	_ =	strace $0x8FFFFFFF  }
0x98: {  	s19 =	sld [smem:$0x3FDB];
	_ =	sdelay $0x1  }
0x99: {  	s4 =	simm.s32 $_scs_section_size  }
0x9a: {  	s5 =	simm.s32 $_size__tile_overlayer_lowered;
	s6 =	simm.s32 $_tile_overlayer_lowered  }
0x9b: {  	s22 =	simm.s32 $0x1BFF;
	s21 =	sshll.u32 s6, $0x1;
	s3 =	sadd.s32 s4, s19  }
0x9c: {  	s7 =	simm.s32 $0x0;
	s20 =	sshll.u32 s5, $0x1;
	s5 =	sadd.s32 s21, s3  }
0x9d: {  	[timem:s7], [sflag:s22] =	dma.local [hbm:s5], s20  }
0x9e: {  	_ =	swait.ge [sflag:s22], s20  }
0x9f: {  	s4 =	ssub.s32 $0x0, s20;
	[sflag:s22] =	ssyncset.done $0x0  }
0xa0: {  	[sflag:s22] =	ssyncadd.s32 s4;
	_ =	sdelay $0x1  }
0xa1: {  	s23 =	simm.s32 $0x1B8B  }
0xa2: {  	_ =	swait.ge [sflag:s23], $0x1  }
0xa3: {  	[sflag:s23] =	ssyncset.done $0x0  }
0xa4: {  	s25 =	simm.s32 $0x1B8E;
	s24 =	sld [smem:$0x3FFE];
	[sflag:s23] =	ssyncadd.s32 $0xFFFFFFFF  }
0xa5: {  	s26 =	simm.s32 $execute0_lowered;
	[smem:$0x3FD2] =	sst s25  }
0xa6: {  	s5 =	sshll.u32 s26, $0x1;
	_ =	strace $0x80000049;
	[dreg:$0x1] =	wrdreg $0xFFFFFFFF  }
0xa7: {  	s28 =	simm.s32 $_size_execute0_lowered;
	s3 =	sadd.s32 s3, s5;
	[dreg:$0x0] =	wrdreg $0x0  }
0xa8: {  	s5 =	sshll.u32 s28, $0x1;
	[dreg:$0x2] =	wrdreg s3  }
0xa9: {  	[dreg:$0x3] =	wrdreg s5  }
0xaa: {  	[dreg:$0x4] =	wrdreg $0xC0  }
0xab: {  	_ =	task [dreg:s7], $0x5FFFF  }
0xac: {  	[dreg:$0x1] =	wrdreg $0xFFFFFFFF  }
0xad: {  	[dreg:$0x0] =	wrdreg $0x60  }
0xae: {  	[dreg:$0x2] =	wrdreg s24  }
0xaf: {  	[dreg:$0x3] =	wrdreg s2  }
0xb0: {  	[dreg:$0x4] =	wrdreg $0x9  }
0xb1: {  	_ =	task.clear_ibuf [dreg:s7], $0x5FFFF;
	_ =	strace $0x90000049  }
0xb2: {  	s29 =	simm.s32 $0x9;
	_ =	strace $0x8000004B  }
0xb3: {  	_ =	swait.ge [sflag:s29], $0x1  }
0xb4: {  	[sflag:s29] =	ssyncadd.s32 $0xFFFFFFFF  }
0xb5: {  	_ =	strace $0x9000004B  }
0xb6: {  	_ =	sfence  }
0xb7: {  	s30 =	sld [smem:$0x0];
	_ =	sdelay $0x2  }
0xb8: {  	s31 =	sshll.u32 s1, $0xD;
	s1 =	sshrl.u32 s1, $0x2  }
0xb9: {  	s3 =	sand.u32 $0x4000, s31;
	s1 =	sadd.s32 s1, s30  }
0xba: {  	s0 =	sor.u32 s3, s0;
	s1 =	sshll.u32 s1, $0x11  }
0xbb: {  	s0 =	sor.u32 s1, s0  }
0xbc: {  	s0 =	sadd.s32 $0x8F2B, s0  }
0xbd: {  	[sflag:s0] =	ssyncadd.remote.s32 $0x1  }
0xbe: {  	_ =	sfence.sel $0xFFFF  }
0xbf: {  	[dreg:$0x0] =	wrdreg $0xFFFFFFFF;
	(pc) =	sbr.abs _section_cstart, $3  }
0xc0: {  	[dreg:$0x1] =	wrdreg $0xFFFFFFFF  }
0xc1: {  	_ =	task.clear_ibuf [dreg:s7], $0x2FFFF;
	_ =	strace $0x9FFFFFFF  }
0xc2: {  	(tm) =	ssettm $0x7FFFFFFF  }
0xc3: {  	_ =	shalt  }
tec
execute0_lowered:
.L_overlay_start_1:
0x0: {  	(tag) =	ssettag $0x1  }
0x1: {  	s0 =	rddreg [dreg:$0x0]  }
0x2: {  	s5 =	rddreg [dreg:$0x1];
	s3 =	srdreg.scid  }
0x3: {  	s1 =	stileid.u32;
	s2 =	simm.s32 $0x0;
	s26 =	simm.s32 $0x880  }
0x4: {  	s10 =	simm.s32 $0x1880;
	s11 =	simm.s32 $0x2080;
	s12 =	simm.s32 $0x2880  }
0x5: {  	s13 =	simm.s32 $0x3080;
	s14 =	simm.s32 $0x3880;
	s15 =	simm.s32 $0x4080  }
0x6: {  	s16 =	simm.s32 $0x4880;
	s17 =	simm.s32 $0x5080;
	s18 =	simm.s32 $0x5880  }
0x7: {  	s19 =	simm.s32 $0x6080;
	s20 =	simm.s32 $0x6880;
	s21 =	simm.s32 $0x7080  }
0x8: {  	s22 =	simm.s32 $0x7880;
	s23 =	simm.s32 $0x8080;
	s28 =	simm.s32 $0xA080  }
0x9: {  	s29 =	simm.s32 $0xA880;
	s30 =	simm.s32 $0xB080;
	s31 =	simm.s32 $0xB880  }
0xa: {  	s3 =	sand.u32 $0x1, s3;
	s4 =	sshll.u32 s1, $0x1;
	[smem:$0x7FF] =	sst s2  }
0xb: {  	s4 =	sor.u32 s3, s4;
	_ =	strace $0x8000004A;
	s7 =	ssub.s32 $0x2, s3  }
0xc: {  	s3 =	sadd.s32 $0x800, s0;
	[dreg:$0x5] =	wrdreg s26;
	s26 =	simm.s32 $0x9880  }
0xd: {  	s6 =	sshll.u32 s4, $0x4;
	s8 =	sshrl.u32 s7, $0x1;
	s9 =	smul.u32 $0x1800, s4  }
0xe: {  	s4 =	sadd.s32 $0x900, s0;
	s6 =	sadd.s32 s6, s0;
	s7 =	ssub.s32 s7, s8  }
0xf: {  	s8 =	simm.s32 $0x80;
	s24 =	sadd.s32 $0x600, s6;
	s25 =	sadd.s32 s5, s9  }
0x10: {  	v2 =	vlaneseq.u32;
	s5 =	sadd.s32 $0xA00, s0;
	s6 =	smax.u32 s7, $0x1;
	s7 =	simm.s32 $0x2  }
0x11: {  	vm0 =	vmmov $0xffff;
	v1 =	vshrl.u32 v2, $0x3;
	s9 =	simm.s32 $0x1080;
	s0 =	simm.s32 $0x1;
	[dreg:$0x3] =	wrdreg s24  }
0x12: {  	v0 =	vand.u32 $0x7, v2;
	v2 =	vor.u32 $0x8, v2;
	v1 =	vmul.u32 $0x8, v1;
	[dreg:$0x4] =	wrdreg s25;
	s24 =	simm.s32 $0x8880;
	s25 =	simm.s32 $0x9080  }
.LBB2_1:
0x13: {  	s1 =	rddreg [dreg:$0x3]  }
0x14: {  	[tilespmem:s2], [sflag:$0x2] =	stream.linear.gather [hbm4b:s1+s2], $0x80, $0x38;
	[tilespmem:$0xC080] =	vst v63  }
0x15: {  	_ =	swait.ge [sflag:s7], $0x80  }
0x16: {  	[sflag:s7] =	ssyncset.done $0x0  }
0x17: {  	[sflag:s7] =	ssyncadd.s32 $0xFFFFFF80  }
0x18: {  	v3 =	vld [tilespmem:$0x0];
	_ =	sdelay $0x4  }
0x19: {  	v4 =	vshrl.u32 v3, $0x3  }
0x1a: {  	v4 =	vmul.u32 $0x30, v4  }
0x1b: {  	v3 =	vand.u32 $0x7, v3  }
0x1c: {  	v3 =	vor.u32 v3, v4  }
0x1d: {  	v4 =	vperm.xlane v3, v0;
	_ =	sdelay $0x1  }
0x1e: {  	v4 =	vadd.s32 v1, v4;
	_ =	sdelay $0x3  }
0x1f: {  	v3 =	vperm.xlane v3, v2  }
0x20: {  	[tilespmem:s8], [sflag:$0x1] =	stream.indirect_vreg.gather [hbm4b:s3+s2], $0x80, v4, vm0, $0xb8;
	[tilespmem:$0xC080] =	vst v63  }
0x21: {  	s1 =	rddreg [dreg:$0x5];
	v3 =	vadd.s32 v1, v3  }
0x22: {  	[tilespmem:s1], [sflag:$0x1] =	stream.indirect_vreg.gather [hbm4b:s4+s2], $0x80, v4, vm0, $0xb8;
	[tilespmem:$0xC080] =	vst v63  }
0x23: {  	_ = 	snop  }
0x24: {  	[tilespmem:s9], [sflag:$0x1] =	stream.indirect_vreg.gather [hbm4b:s5+s2], $0x80, v4, vm0, $0xb8;
	[tilespmem:$0xC080] =	vst v63  }
0x25: {  	_ = 	snop  }
0x26: {  	[tilespmem:s10], [sflag:$0x1] =	stream.indirect_vreg.gather [hbm4b:s3+s2], $0x80, v3, vm0, $0xb8;
	[tilespmem:$0xC080] =	vst v63  }
0x27: {  	_ = 	snop  }
0x28: {  	[tilespmem:s11], [sflag:$0x1] =	stream.indirect_vreg.gather [hbm4b:s4+s2], $0x80, v3, vm0, $0xb8;
	[tilespmem:$0xC080] =	vst v63  }
0x29: {  	_ = 	snop  }
0x2a: {  	[tilespmem:s12], [sflag:$0x1] =	stream.indirect_vreg.gather [hbm4b:s5+s2], $0x80, v3, vm0, $0xb8;
	[tilespmem:$0xC080] =	vst v63  }
0x2b: {  	v3 =	vld [tilespmem:$0x10];
	_ =	sdelay $0x4  }
0x2c: {  	v61 =	vshrl.u32 v3, $0x3  }
0x2d: {  	v4 =	vmul.u32 $0x30, v61  }
0x2e: {  	v3 =	vand.u32 $0x7, v3  }
0x2f: {  	v3 =	vor.u32 v3, v4  }
0x30: {  	v4 =	vperm.xlane v3, v0;
	_ =	sdelay $0x1  }
0x31: {  	v4 =	vadd.s32 v1, v4;
	_ =	sdelay $0x3  }
0x32: {  	v3 =	vperm.xlane v3, v2  }
0x33: {  	[tilespmem:s13], [sflag:$0x1] =	stream.indirect_vreg.gather [hbm4b:s3+s2], $0x80, v4, vm0, $0xb8;
	[tilespmem:$0xC080] =	vst v63  }
0x34: {  	v3 =	vadd.s32 v1, v3  }
0x35: {  	[tilespmem:s14], [sflag:$0x1] =	stream.indirect_vreg.gather [hbm4b:s4+s2], $0x80, v4, vm0, $0xb8;
	[tilespmem:$0xC080] =	vst v63  }
0x36: {  	_ = 	snop  }
0x37: {  	[tilespmem:s15], [sflag:$0x1] =	stream.indirect_vreg.gather [hbm4b:s5+s2], $0x80, v4, vm0, $0xb8;
	[tilespmem:$0xC080] =	vst v63  }
0x38: {  	_ = 	snop  }
0x39: {  	[tilespmem:s16], [sflag:$0x1] =	stream.indirect_vreg.gather [hbm4b:s3+s2], $0x80, v3, vm0, $0xb8;
	[tilespmem:$0xC080] =	vst v63  }
0x3a: {  	_ = 	snop  }
0x3b: {  	[tilespmem:s17], [sflag:$0x1] =	stream.indirect_vreg.gather [hbm4b:s4+s2], $0x80, v3, vm0, $0xb8;
	[tilespmem:$0xC080] =	vst v63  }
0x3c: {  	_ = 	snop  }
0x3d: {  	[tilespmem:s18], [sflag:$0x1] =	stream.indirect_vreg.gather [hbm4b:s5+s2], $0x80, v3, vm0, $0xb8;
	[tilespmem:$0xC080] =	vst v63  }
0x3e: {  	v3 =	vld [tilespmem:$0x20];
	_ =	sdelay $0x4  }
0x3f: {  	v62 =	vshrl.u32 v3, $0x3  }
0x40: {  	v4 =	vmul.u32 $0x30, v62  }
0x41: {  	v3 =	vand.u32 $0x7, v3  }
0x42: {  	v3 =	vor.u32 v3, v4  }
0x43: {  	v4 =	vperm.xlane v3, v0;
	_ =	sdelay $0x1  }
0x44: {  	v4 =	vadd.s32 v1, v4;
	_ =	sdelay $0x3  }
0x45: {  	v3 =	vperm.xlane v3, v2  }
0x46: {  	[tilespmem:s19], [sflag:$0x1] =	stream.indirect_vreg.gather [hbm4b:s3+s2], $0x80, v4, vm0, $0xb8;
	[tilespmem:$0xC080] =	vst v63  }
0x47: {  	v3 =	vadd.s32 v1, v3  }
0x48: {  	[tilespmem:s20], [sflag:$0x1] =	stream.indirect_vreg.gather [hbm4b:s4+s2], $0x80, v4, vm0, $0xb8;
	[tilespmem:$0xC080] =	vst v63  }
0x49: {  	_ = 	snop  }
0x4a: {  	[tilespmem:s21], [sflag:$0x1] =	stream.indirect_vreg.gather [hbm4b:s5+s2], $0x80, v4, vm0, $0xb8;
	[tilespmem:$0xC080] =	vst v63  }
0x4b: {  	_ = 	snop  }
0x4c: {  	[tilespmem:s22], [sflag:$0x1] =	stream.indirect_vreg.gather [hbm4b:s3+s2], $0x80, v3, vm0, $0xb8;
	[tilespmem:$0xC080] =	vst v63  }
0x4d: {  	_ = 	snop  }
0x4e: {  	[tilespmem:s23], [sflag:$0x1] =	stream.indirect_vreg.gather [hbm4b:s4+s2], $0x80, v3, vm0, $0xb8;
	[tilespmem:$0xC080] =	vst v63  }
0x4f: {  	_ = 	snop  }
0x50: {  	[tilespmem:s24], [sflag:$0x1] =	stream.indirect_vreg.gather [hbm4b:s5+s2], $0x80, v3, vm0, $0xb8;
	[tilespmem:$0xC080] =	vst v63  }
0x51: {  	v3 =	vld [tilespmem:$0x30];
	_ =	sdelay $0x4  }
0x52: {  	v63 =	vshrl.u32 v3, $0x3  }
0x53: {  	v4 =	vmul.u32 $0x30, v63  }
0x54: {  	v3 =	vand.u32 $0x7, v3  }
0x55: {  	v3 =	vor.u32 v3, v4  }
0x56: {  	v4 =	vperm.xlane v3, v0;
	_ =	sdelay $0x1  }
0x57: {  	v4 =	vadd.s32 v1, v4;
	_ =	sdelay $0x3  }
0x58: {  	v3 =	vperm.xlane v3, v2  }
0x59: {  	[tilespmem:s25], [sflag:$0x1] =	stream.indirect_vreg.gather [hbm4b:s3+s2], $0x80, v4, vm0, $0xb8;
	[tilespmem:$0xC080] =	vst v63  }
0x5a: {  	v3 =	vadd.s32 v1, v3  }
0x5b: {  	[tilespmem:s26], [sflag:$0x1] =	stream.indirect_vreg.gather [hbm4b:s4+s2], $0x80, v4, vm0, $0xb8;
	[tilespmem:$0xC080] =	vst v63  }
0x5c: {  	_ = 	snop  }
0x5d: {  	[tilespmem:s28], [sflag:$0x1] =	stream.indirect_vreg.gather [hbm4b:s5+s2], $0x80, v4, vm0, $0xb8;
	[tilespmem:$0xC080] =	vst v63  }
0x5e: {  	_ = 	snop  }
0x5f: {  	[tilespmem:s29], [sflag:$0x1] =	stream.indirect_vreg.gather [hbm4b:s3+s2], $0x80, v3, vm0, $0xb8;
	[tilespmem:$0xC080] =	vst v63  }
0x60: {  	_ = 	snop  }
0x61: {  	[tilespmem:s30], [sflag:$0x1] =	stream.indirect_vreg.gather [hbm4b:s4+s2], $0x80, v3, vm0, $0xb8;
	[tilespmem:$0xC080] =	vst v63  }
0x62: {  	_ = 	snop  }
0x63: {  	[tilespmem:s31], [sflag:$0x1] =	stream.indirect_vreg.gather [hbm4b:s5+s2], $0x80, v3, vm0, $0xb8;
	[tilespmem:$0xC080] =	vst v63  }
0x64: {  	_ =	swait.ge [sflag:s0], $0xC000  }
0x65: {  	p0 =	sne.s32 s6, $0x1;
	[sflag:s0] =	ssyncset.done $0x0  }
.Ltmp0:
0x66: {  	s1 =	rddreg [dreg:$0x4];
	[sflag:s0] =	ssyncadd.s32 $0xFFFF4000;
	(pc) =	sbr.rel @p0 .LBB2_1-.Ltmp0, $4  }
0x67: {  	[hbm4b:s1+s2] =	stream.linear.scatter [tilespmem:s8], [sflag:$0x2], $0xC000, $0x38;
	[tilespmem:$0xC080] =	vst v63  }
0x68: {  	_ =	swait.ge [sflag:s7], $0xC000  }
0x69: {  	[sflag:s7] =	ssyncset.done $0x0  }
0x6a: {  	s6 =	sadd.s32 $0xFFFFFFFF, s6;
	[sflag:s7] =	ssyncadd.s32 $0xFFFF4000  }
0x6b: {  	_ =	sfence.sel $0x180000  }
0x6c: {  	[bflag:$0x0] =	sbarrier.arrive $0xFFFF  }
0x6d: {  	_ =	strace $0x9000004A  }
0x6e: {  	s0 =	stileid.u32;
	[bflag:$0x2] =	sbarrier.arrive $0xFFFF  }
0x6f: {  	p0 =	sne.s32 s0, $0x0;
	s0 =	rddreg [dreg:$0x2]  }
0x70: {  	s0 =	sadd.s32 @!p0 $0x100000, s0  }
0x71: {  	[sflag:s0] =	ssyncadd.tile.s32 @!p0 $0x1;
	_ =	shalt  }
.Lfunc_end2:
_tile_overlayer_lowered:
.L_overlay_start_2:
0x72: {  	(tag) =	ssettag $0x2  }
0x73: {  	s0 =	rddreg [dreg:$0x0];
	s2 =	stileid.u32  }
0x74: {  	s1 =	rddreg [dreg:$0x1];
	p0 =	sne.s32 s2, $0x0  }
0x75: {  	s3 =	rddreg [dreg:$0x2];
	[bflag:$0x3] =	sbarrier.arrive $0xFFFF;
	s2 =	simm.s32 @!p0 $0x1C02  }
0x76: {  	[timem:s3], [sflag:s2] =	dma.local @!p0 [hbm:s0], s1  }
0x77: {  	s0 =	simm.s32 @!p0 $0x2  }
0x78: {  	_ =	swait.ge @!p0 [sflag:s0], s1  }
0x79: {  	s1 =	ssub.s32 @!p0 $0x0, s1;
	[sflag:s0] =	ssyncset.done @!p0 $0x0  }
0x7a: {  	[sflag:s0] =	ssyncadd.s32 @!p0 s1  }
0x7b: {  	[bflag:$0x3] =	sbarrier.arrive $0xFFFF  }
0x7c: {  	_ =	shalt  }

</sc_bundles>
